<compile_context>
chip_gen: v7x
topology: tpu7x:2x2x1
jax: 0.10.2.dev20260603
libtpu: 0.0.44.dev20260713+nightly
codegen_flags: <defaults>
</compile_context>

<pallas_src>
import dataclasses
import functools

import jax
import jax.numpy as jnp
from jax import lax
from jax.experimental import pallas as pl
from jax.experimental.pallas import tpu as pltpu
from jax.experimental.pallas import tpu_sc as plsc

N = 100000
E = 6400000
EPS = 1e-5

NSC = 2
NTILES = 16
LANES = 16

ROWS_PER_TILE = 6272
NPAD = NTILES * ROWS_PER_TILE
ZROWS = 128
TROW = 64

CH = 400
CHUNKS = 500
EDGES_PER_TILE = CH * CHUNKS
EDGES_PER_SC = EDGES_PER_TILE * NTILES

_mesh = plsc.VectorSubcoreMesh(core_axis_name="c", subcore_axis_name="s")

_cparams = pltpu.CompilerParams(use_tc_tiling_on_sc=False)


def _chunk_pipeline(ei_hbm, gather_ref, src_v, dst_v, rows_v,
                    acc_sh, sem_i, sem_g, sem_s, edge_base, ch, chunks,
                    idx_mulp=None):

    def issue_idx(j, u):
        eo = edge_base + j * ch
        pltpu.async_copy(ei_hbm.at[0, pl.ds(eo, ch)], src_v.at[u], sem_i)
        pltpu.async_copy(ei_hbm.at[1, pl.ds(eo, ch)], dst_v.at[u], sem_i)

    def wait_idx(j, u):
        eo = edge_base + j * ch
        pltpu.make_async_copy(ei_hbm.at[0, pl.ds(eo, ch)], src_v.at[u],
                              sem_i).wait()
        pltpu.make_async_copy(ei_hbm.at[1, pl.ds(eo, ch)], dst_v.at[u],
                              sem_i).wait()

    def wait_gather(b, u):
        pltpu.make_async_copy(gather_ref.at[src_v.at[u]], rows_v.at[b],
                              sem_g).wait()

    def wait_scatter(b, u):
        pltpu.make_async_copy(rows_v.at[b], acc_sh.at[dst_v.at[u]],
                              sem_s).wait()

    issue_idx(0, 0)

    @pl.loop(0, chunks)
    def _(j):
        u = lax.rem(j, 4)
        b = lax.rem(j, 3)
        up = lax.rem(j + 3, 4)
        bp = lax.rem(j + 2, 3)
        wait_idx(j, u)
        if idx_mulp is not None:
            for v in range(ch // LANES):
                sl = pl.ds(v * LANES, LANES)
                src_v[u, sl] = src_v[u, sl] * 4 + idx_mulp

        @pl.when(j >= 3)
        def _():
            wait_scatter(b, lax.rem(j + 1, 4))
        pltpu.async_copy(gather_ref.at[src_v.at[u]], rows_v.at[b], sem_g)

        @pl.when(j + 1 < chunks)
        def _():
            issue_idx(j + 1, lax.rem(j + 1, 4))

        @pl.when(j >= 1)
        def _():
            wait_gather(bp, up)
            pltpu.async_copy(rows_v.at[bp], acc_sh.at[dst_v.at[up]],
                             sem_s, add=True)

    jl = chunks - 1
    wait_gather(jl % 3, jl % 4)
    pltpu.async_copy(rows_v.at[jl % 3], acc_sh.at[dst_v.at[jl % 4]],
                     sem_s, add=True)
    for jj in (chunks - 3, chunks - 2, chunks - 1):
        wait_scatter(jj % 3, jj % 4)


W1 = 8
CH1 = 2000
CHUNKS1 = 100


def _sc_layer1(x8, ei):

    @functools.partial(
        pl.kernel,
        out_type=jax.ShapeDtypeStruct((NSC, NPAD, W1), jnp.float32),
        mesh=_mesh,
        scratch_types=[
            pltpu.VMEM((4, CH1), jnp.int32),
            pltpu.VMEM((4, CH1), jnp.int32),
            pltpu.VMEM((3, CH1, W1), jnp.float32),
            pltpu.VMEM((ZROWS, W1), jnp.float32),
            pltpu.VMEM_SHARED((NPAD, W1), jnp.float32),
            pltpu.SemaphoreType.DMA,
            pltpu.SemaphoreType.DMA,
            pltpu.SemaphoreType.DMA,
        ],
        compiler_params=_cparams,
    )
    def k(x8_hbm, ei_hbm, out_hbm,
          src_v, dst_v, rows_v, zero_v, acc_sh, sem_i, sem_g, sem_s):
        c = lax.axis_index("c")
        s = lax.axis_index("s")
        row_base = s * ROWS_PER_TILE
        edge_base = c * EDGES_PER_SC + s * EDGES_PER_TILE

        @pl.loop(0, ZROWS * W1 // LANES)
        def _(i):
            zero_v[pl.ds(i * 2, 2), :] = jnp.zeros((2, W1), jnp.float32)

        @pl.loop(0, ROWS_PER_TILE // ZROWS)
        def _(j):
            pltpu.sync_copy(zero_v,
                            acc_sh.at[pl.ds(row_base + j * ZROWS, ZROWS)])
        plsc.subcore_barrier()

        _chunk_pipeline(ei_hbm, x8_hbm, src_v, dst_v,
                        rows_v, acc_sh, sem_i, sem_g, sem_s, edge_base,
                        CH1, CHUNKS1)

        plsc.subcore_barrier()
        @pl.loop(0, ROWS_PER_TILE // ZROWS)
        def _(j):
            r0 = row_base + j * ZROWS
            pltpu.sync_copy(acc_sh.at[pl.ds(r0, ZROWS)],
                            out_hbm.at[c, pl.ds(r0, ZROWS)])

    return k(x8, ei)


def _sc_layer2(h4, ei):

    @functools.partial(
        pl.kernel,
        out_type=jax.ShapeDtypeStruct((NSC, NPAD, 64), jnp.float32),
        mesh=_mesh,
        scratch_types=[
            pltpu.VMEM((4, CH), jnp.int32),
            pltpu.VMEM((4, CH), jnp.int32),
            pltpu.VMEM((3, CH, LANES), jnp.float32),
            pltpu.VMEM((ZROWS, LANES), jnp.float32),
            pltpu.VMEM_SHARED((NPAD, LANES), jnp.float32),
            pltpu.SemaphoreType.DMA,
            pltpu.SemaphoreType.DMA,
            pltpu.SemaphoreType.DMA,
        ],
        compiler_params=_cparams,
    )
    def k(h4_hbm, ei_hbm, out_hbm,
          src_v, dst_v, rows_v, zero_v, acc_sh, sem_i, sem_g, sem_s):
        c = lax.axis_index("c")
        s = lax.axis_index("s")
        row_base = s * ROWS_PER_TILE
        edge_base = c * EDGES_PER_SC + s * EDGES_PER_TILE

        @pl.loop(0, ZROWS)
        def _(i):
            zero_v[i, :] = jnp.zeros((LANES,), jnp.float32)

        @pl.loop(0, 4)
        def _(p):
            @pl.loop(0, ROWS_PER_TILE // ZROWS)
            def _(j):
                pltpu.sync_copy(zero_v,
                                acc_sh.at[pl.ds(row_base + j * ZROWS, ZROWS)])
            plsc.subcore_barrier()

            _chunk_pipeline(ei_hbm, h4_hbm,
                            src_v, dst_v, rows_v, acc_sh,
                            sem_i, sem_g, sem_s, edge_base, CH, CHUNKS,
                            idx_mulp=p)

            plsc.subcore_barrier()
            @pl.loop(0, ROWS_PER_TILE // ZROWS)
            def _(j):
                r0 = row_base + j * ZROWS
                pltpu.sync_copy(
                    acc_sh.at[pl.ds(r0, ZROWS)],
                    out_hbm.at[c, pl.ds(r0, ZROWS), pl.ds(p * LANES, LANES)])
            plsc.subcore_barrier()

    return k(h4, ei)


BLK = 2048
GRID = NPAD // BLK


def _tc_layer1_body(P_ref, x_ref, w1l_ref, b1l_ref, w1r_ref, sc1_ref, be1_ref,
                    h1_ref):
    ssum = P_ref[0] + P_ref[1]
    cnt = jnp.maximum(ssum[:, 4:5], 1.0)
    agg = ssum[:, 0:4] / cnt
    h = (jnp.dot(agg, w1l_ref[...], preferred_element_type=jnp.float32)
         + jnp.dot(x_ref[...], w1r_ref[...], preferred_element_type=jnp.float32)
         + b1l_ref[...])
    h = h * sc1_ref[...] + be1_ref[...]
    h1_ref[...] = jnp.maximum(h, 0.0)


def _tc_layer1(P, x_pad, w1lT, b1l, w1rT, sc1, be1):
    wspec = pl.BlockSpec((4, 64), lambda i: (0, 0))
    vspec = pl.BlockSpec((1, 64), lambda i: (0, 0))
    return pl.pallas_call(
        _tc_layer1_body,
        grid=(GRID,),
        in_specs=[
            pl.BlockSpec((NSC, BLK, 8), lambda i: (0, i, 0)),
            pl.BlockSpec((BLK, 4), lambda i: (i, 0)),
            wspec, vspec, wspec, vspec, vspec,
        ],
        out_specs=pl.BlockSpec((BLK, 64), lambda i: (i, 0)),
        out_shape=jax.ShapeDtypeStruct((NPAD, 64), jnp.float32),
    )(P, x_pad, w1lT, b1l, w1rT, sc1, be1)


def _tc_layer2_body(O_ref, h1_ref, P_ref, w2l_ref, b2l_ref, w2r_ref,
                    sc2_ref, be2_ref, wp_ref, bp_ref, out_ref):
    cnt = jnp.maximum(P_ref[0][:, 4:5] + P_ref[1][:, 4:5], 1.0)
    agg = (O_ref[0] + O_ref[1]) / cnt
    h1 = h1_ref[...]
    h = (jnp.dot(agg, w2l_ref[...], preferred_element_type=jnp.float32)
         + jnp.dot(h1, w2r_ref[...], preferred_element_type=jnp.float32)
         + b2l_ref[...])
    h = h * sc2_ref[...] + be2_ref[...]
    h = jnp.maximum(h, 0.0)
    o = jnp.dot(h, wp_ref[...], preferred_element_type=jnp.float32) + bp_ref[...]
    out_ref[...] = jax.nn.sigmoid(o[:, 0])


def _tc_layer2(O, h1, P, w2lT, b2l, w2rT, sc2, be2, wpT, bp):
    wspec = pl.BlockSpec((64, 64), lambda i: (0, 0))
    vspec = pl.BlockSpec((1, 64), lambda i: (0, 0))
    return pl.pallas_call(
        _tc_layer2_body,
        grid=(GRID,),
        in_specs=[
            pl.BlockSpec((NSC, BLK, 64), lambda i: (0, i, 0)),
            pl.BlockSpec((BLK, 64), lambda i: (i, 0)),
            pl.BlockSpec((NSC, BLK, 8), lambda i: (0, i, 0)),
            wspec, vspec, wspec, vspec, vspec,
            pl.BlockSpec((64, 1), lambda i: (0, 0)),
            pl.BlockSpec((1, 1), lambda i: (0, 0)),
        ],
        out_specs=pl.BlockSpec((BLK,), lambda i: (i,)),
        out_shape=jax.ShapeDtypeStruct((NPAD,), jnp.float32),
    )(O, h1, P, w2lT, b2l, w2rT, sc2, be2, wpT, bp)


def kernel(x, edge_index, W1l, b1l, W1r, g1, be1, W2l, b2l, W2r, g2, be2, Wp, bp):
    x8 = jnp.concatenate(
        [x, jnp.ones((N, 1), jnp.float32), jnp.zeros((N, 3), jnp.float32)],
        axis=1)
    x8 = jnp.pad(x8, ((0, NPAD - N), (0, 0)))
    x_pad = jnp.pad(x, ((0, NPAD - N), (0, 0)))

    sc1 = (g1 / jnp.sqrt(1.0 + EPS)).reshape(1, 64)
    sc2 = (g2 / jnp.sqrt(1.0 + EPS)).reshape(1, 64)

    P = _sc_layer1(x8, edge_index)
    h1 = _tc_layer1(P, x_pad, W1l.T, b1l.reshape(1, 64), W1r.T,
                    sc1, be1.reshape(1, 64))
    O = _sc_layer2(h1.reshape(4 * NPAD, LANES), edge_index)
    out = _tc_layer2(O, h1, P, W2l.T, b2l.reshape(1, 64), W2r.T,
                     sc2, be2.reshape(1, 64), Wp.T, bp.reshape(1, 1))
    return out[:N].reshape(N, 1)

# --- scband reference (transcript-rebuilt; emitter-appended) ---
"""Pipeline reference for scband-bus-stop-predictor-9431748182756 (READ-ONLY COPY).

The authoritative reference and input builder live on the scoring server;
editing this copy changes nothing except your own understanding.
"""

import jax, jax.numpy as jnp
import numpy as np

N = 100000
E = 6400000
EPS = 1e-5


def setup_inputs(seed: int = 0) -> dict:
    key = jax.random.key(seed)
    ks = jax.random.split(key, 16)
    x = jax.random.normal(ks[0], (N, 4), dtype=jnp.float32)
    edge_index = jax.random.randint(ks[1], (2, E), 0, N, dtype=jnp.int32)
    # SAGEConv(4, 64): lin_l (aggregated neighbors, with bias) + lin_r (root, no bias)
    W1l = jax.random.normal(ks[2], (64, 4), dtype=jnp.float32) * 0.3
    b1l = jax.random.normal(ks[3], (64,), dtype=jnp.float32) * 0.05
    W1r = jax.random.normal(ks[4], (64, 4), dtype=jnp.float32) * 0.3
    # BatchNorm(64) params (eval mode: running_mean=0, running_var=1)
    g1 = 1.0 + jax.random.normal(ks[5], (64,), dtype=jnp.float32) * 0.05
    be1 = jax.random.normal(ks[6], (64,), dtype=jnp.float32) * 0.05
    # SAGEConv(64, 64)
    W2l = jax.random.normal(ks[7], (64, 64), dtype=jnp.float32) * 0.1
    b2l = jax.random.normal(ks[8], (64,), dtype=jnp.float32) * 0.05
    W2r = jax.random.normal(ks[9], (64, 64), dtype=jnp.float32) * 0.1
    g2 = 1.0 + jax.random.normal(ks[10], (64,), dtype=jnp.float32) * 0.05
    be2 = jax.random.normal(ks[11], (64,), dtype=jnp.float32) * 0.05
    # predictor Linear(64, 1)
    Wp = jax.random.normal(ks[12], (1, 64), dtype=jnp.float32) * 0.1
    bp = jax.random.normal(ks[13], (1,), dtype=jnp.float32) * 0.05
    return {"x": x, "edge_index": edge_index, "W1l": W1l, "b1l": b1l, "W1r": W1r,
            "g1": g1, "be1": be1, "W2l": W2l, "b2l": b2l, "W2r": W2r,
            "g2": g2, "be2": be2, "Wp": Wp, "bp": bp}


def _sage_conv(x, src, dst, Wl, bl, Wr):
    # mean aggregation of neighbor (source) features at destination nodes
    msg = x[src]
    agg = jax.ops.segment_sum(msg, dst, num_segments=N)
    cnt = jax.ops.segment_sum(jnp.ones((src.shape[0],), dtype=x.dtype), dst, num_segments=N)
    agg = agg / jnp.maximum(cnt, 1.0)[:, None]
    return agg @ Wl.T + bl + x @ Wr.T


def _batch_norm_eval(x, gamma, beta):
    # eval-mode BatchNorm1d: running_mean=0, running_var=1
    return x * (gamma / jnp.sqrt(1.0 + EPS)) + beta


def reference(x, edge_index, W1l, b1l, W1r, g1, be1, W2l, b2l, W2r, g2, be2, Wp, bp):
    src = edge_index[0]
    dst = edge_index[1]
    h = _sage_conv(x, src, dst, W1l, b1l, W1r)
    h = _batch_norm_eval(h, g1, be1)
    h = jax.nn.relu(h)
    # dropout is identity in eval mode
    h = _sage_conv(h, src, dst, W2l, b2l, W2r)
    h = _batch_norm_eval(h, g2, be2)
    h = jax.nn.relu(h)
    out = h @ Wp.T + bp
    return jax.nn.sigmoid(out)

if __name__ == "__main__":
    import jax
    _d = setup_inputs()
    print(jax.jit(kernel)(*tuple(_d.values())))

</pallas_src>

<mosaic_0001>
#map = affine_map<(d0, d1) -> (0, 0)>
#map1 = affine_map<(d0, d1) -> (0, 0, 0)>
module attributes {stable_mosaic.version = 14 : i64} {
  func.func @k(%arg0: i32, %arg1: i32, %arg2: memref<401408x16xf32, #tpu.memory_space<hbm>>, %arg3: memref<2x6400000xi32, #tpu.memory_space<hbm>>, %arg4: memref<2x100352x64xf32, #tpu.memory_space<hbm>>, %arg5: memref<4x400xi32, #tpu.memory_space<vmem>>, %arg6: memref<4x400xi32, #tpu.memory_space<vmem>>, %arg7: memref<3x400x16xf32, #tpu.memory_space<vmem>>, %arg8: memref<128x16xf32, #tpu.memory_space<vmem>>, %arg9: memref<100352x16xf32, #tpu.memory_space<vmem_shared>>, %arg10: memref<!tpu.dma_semaphore, #tpu.memory_space<semaphore_mem>>, %arg11: memref<!tpu.dma_semaphore, #tpu.memory_space<semaphore_mem>>, %arg12: memref<!tpu.dma_semaphore, #tpu.memory_space<semaphore_mem>>) attributes {dimension_semantics = [#tpu.dimension_semantics<core_parallel>, #tpu.dimension_semantics<subcore_parallel>], iteration_bounds = array<i64: 2, 16>, scalar_prefetch = 0 : i64, scratch_operands = 8 : i64, tpu.core_type = #tpu.core_type<sc_vector_subcore>, window_params = [{transform_indices = #map}, {transform_indices = #map}, {transform_indices = #map1}]} {
    %mul3A = arith.constant 6272 : i32
    %mul3A_0 = arith.muli %arg1, %mul3A : i32
    %mul3A_1 = arith.constant 3200000 : i32
    %mul3A_2 = arith.muli %arg0, %mul3A_1 : i32
    %mul3A_3 = arith.constant 200000 : i32
    %mul3A_4 = arith.muli %arg1, %mul3A_3 : i32
    %add3A = arith.addi %mul3A_2, %mul3A_4 : i32
    %scan3A = arith.constant 0 : i32
    %scan3A_5 = arith.constant 128 : i32
    %scan3A_6 = arith.addi %scan3A, %scan3A_5 : i32
    %scan3A_7 = arith.constant 1 : i32
    scf.for %scan3A_14 = %scan3A to %scan3A_6 step %scan3A_7  : i32 {
      %mul3A_15 = arith.constant 1 : i32
      %mul3A_16 = arith.muli %scan3A_14, %mul3A_15 : i32
      %add3A_17 = arith.constant 0 : i32
      %add3A_18 = arith.addi %add3A_17, %mul3A_16 : i32
      %broadcast_in_dim3A = arith.constant 0.000000e+00 : f32
      %broadcast_in_dim3A_19 = vector.broadcast %broadcast_in_dim3A : f32 to vector<16xf32>
      %swap3A = arith.index_cast %add3A_18 : i32 to index
      %swap3A_20 = arith.constant 0 : index
      %swap3A_21 = tpu.vector_load %arg8[%swap3A, %swap3A_20] {strides = array<i32>} : memref<128x16xf32, #tpu.memory_space<vmem>>, vector<1x16xf32>,
      %swap3A_22 = vector.shape_cast %swap3A_21 : vector<1x16xf32> to vector<16xf32>
      %swap3A_23 = vector.shape_cast %broadcast_in_dim3A_19 : vector<16xf32> to vector<1x16xf32>
      tpu.vector_store %arg8[%swap3A, %swap3A_20], %swap3A_23 {strides = array<i32>} : memref<128x16xf32, #tpu.memory_space<vmem>>, vector<1x16xf32>,
    }
    %scan3A_8 = arith.constant 128 : i32
    %scan3A_9 = arith.constant 0 : i32
    %scan3A_10 = arith.constant 4 : i32
    %scan3A_11 = arith.addi %scan3A_9, %scan3A_10 : i32
    %scan3A_12 = arith.constant 1 : i32
    scf.for %scan3A_14 = %scan3A_9 to %scan3A_11 step %scan3A_12  : i32 {
      %mul3A_15 = arith.constant 1 : i32
      %mul3A_16 = arith.muli %scan3A_14, %mul3A_15 : i32
      %add3A_17 = arith.constant 0 : i32
      %add3A_18 = arith.addi %add3A_17, %mul3A_16 : i32
      %scan3A_19 = arith.constant 0 : i32
      %scan3A_20 = arith.constant 49 : i32
      %scan3A_21 = arith.addi %scan3A_19, %scan3A_20 : i32
      %scan3A_22 = arith.constant 1 : i32
      scf.for %scan3A_120 = %scan3A_19 to %scan3A_21 step %scan3A_22  : i32 {
        %mul3A_121 = arith.constant 1 : i32
        %mul3A_122 = arith.muli %scan3A_120, %mul3A_121 : i32
        %add3A_123 = arith.constant 0 : i32
        %add3A_124 = arith.addi %add3A_123, %mul3A_122 : i32
        %mul3A_125 = arith.constant 128 : i32
        %mul3A_126 = arith.muli %add3A_124, %mul3A_125 : i32
        %add3A_127 = arith.addi %mul3A_0, %mul3A_126 : i32
        "tpu.region"() ({
          %run_scoped3A = tpu.sem_alloc : memref<!tpu.dma_semaphore, #tpu.memory_space<semaphore_mem>>
          %dma_start3A_128 = arith.constant 0 : i32
          %dma_start3A_129 = tpu.memref_slice %arg9[%add3A_127, %dma_start3A_128] : memref<100352x16xf32, #tpu.memory_space<vmem_shared>> -> memref<128x16xf32, #tpu.memory_space<vmem_shared>>
          %dma_start3A_130 = arith.constant 0 : i32
          %dma_start3A_131 = tpu.memref_slice %arg9[%add3A_127, %dma_start3A_130] : memref<100352x16xf32, #tpu.memory_space<vmem_shared>> -> memref<128x16xf32, #tpu.memory_space<vmem_shared>>
          tpu.enqueue_dma source(%arg8 : memref<128x16xf32, #tpu.memory_space<vmem>>) target(%dma_start3A_131 : memref<128x16xf32, #tpu.memory_space<vmem_shared>>) target_semaphore(%run_scoped3A : memref<!tpu.dma_semaphore, #tpu.memory_space<semaphore_mem>>)
          %dma_wait3A_132 = arith.constant 0 : i32
          %dma_wait3A_133 = tpu.memref_slice %arg9[%add3A_127, %dma_wait3A_132] : memref<100352x16xf32, #tpu.memory_space<vmem_shared>> -> memref<128x16xf32, #tpu.memory_space<vmem_shared>>
          %dma_wait3A_134 = arith.constant 0 : i32
          %dma_wait3A_135 = tpu.memref_slice %arg9[%add3A_127, %dma_wait3A_134] : memref<100352x16xf32, #tpu.memory_space<vmem_shared>> -> memref<128x16xf32, #tpu.memory_space<vmem_shared>>
          tpu.wait_dma2 semaphore(%run_scoped3A : memref<!tpu.dma_semaphore, #tpu.memory_space<semaphore_mem>>) src(%arg8 : memref<128x16xf32, #tpu.memory_space<vmem>>) dst(%dma_wait3A_135 : memref<128x16xf32, #tpu.memory_space<vmem_shared>>)
          tpu.yield
        }) : () -> ()
      }
      %scan3A_23 = arith.constant 49 : i32
      %barrier3A = arith.constant 0 : index
      tpu.barrier barrier_id(%barrier3A)
      %add3A_24 = arith.constant 0 : i32
      %add3A_25 = arith.addi %add3A, %add3A_24 : i32
      %dma_start3A = arith.constant 0 : i32
      %dma_start3A_26 = arith.constant 0 : i32
      %dma_start3A_27 = arith.constant 0 : i32
      %dma_start3A_28 = tpu.memref_slice %arg5[%dma_start3A_26, %dma_start3A_27] : memref<4x400xi32, #tpu.memory_space<vmem>> -> memref<1x400xi32, #tpu.memory_space<vmem>>
      %dma_start3A_29 = tpu.memref_squeeze %dma_start3A_28 : memref<1x400xi32, #tpu.memory_space<vmem>> -> memref<400xi32, #tpu.memory_space<vmem>>
      %dma_start3A_30 = tpu.memref_slice %arg3[%dma_start3A, %add3A_25] : memref<2x6400000xi32, #tpu.memory_space<hbm>> -> memref<1x400xi32, #tpu.memory_space<hbm>>
      %dma_start3A_31 = tpu.memref_squeeze %dma_start3A_30 : memref<1x400xi32, #tpu.memory_space<hbm>> -> memref<400xi32, #tpu.memory_space<hbm>>
      %dma_start3A_32 = arith.constant 0 : i32
      %dma_start3A_33 = tpu.memref_slice %arg5[%dma_start3A_26, %dma_start3A_32] : memref<4x400xi32, #tpu.memory_space<vmem>> -> memref<1x400xi32, #tpu.memory_space<vmem>>
      %dma_start3A_34 = tpu.memref_squeeze %dma_start3A_33 : memref<1x400xi32, #tpu.memory_space<vmem>> -> memref<400xi32, #tpu.memory_space<vmem>>
      %dma_start3A_35 = tpu.memref_slice %arg3[%dma_start3A, %add3A_25] : memref<2x6400000xi32, #tpu.memory_space<hbm>> -> memref<1x400xi32, #tpu.memory_space<hbm>>
      %dma_start3A_36 = tpu.memref_squeeze %dma_start3A_35 : memref<1x400xi32, #tpu.memory_space<hbm>> -> memref<400xi32, #tpu.memory_space<hbm>>
      tpu.enqueue_dma source(%dma_start3A_36 : memref<400xi32, #tpu.memory_space<hbm>>) target(%dma_start3A_34 : memref<400xi32, #tpu.memory_space<vmem>>) target_semaphore(%arg10 : memref<!tpu.dma_semaphore, #tpu.memory_space<semaphore_mem>>)
      %dma_start3A_37 = arith.constant 1 : i32
      %dma_start3A_38 = arith.constant 0 : i32
      %dma_start3A_39 = arith.constant 0 : i32
      %dma_start3A_40 = tpu.memref_slice %arg6[%dma_start3A_38, %dma_start3A_39] : memref<4x400xi32, #tpu.memory_space<vmem>> -> memref<1x400xi32, #tpu.memory_space<vmem>>
      %dma_start3A_41 = tpu.memref_squeeze %dma_start3A_40 : memref<1x400xi32, #tpu.memory_space<vmem>> -> memref<400xi32, #tpu.memory_space<vmem>>
      %dma_start3A_42 = tpu.memref_slice %arg3[%dma_start3A_37, %add3A_25] : memref<2x6400000xi32, #tpu.memory_space<hbm>> -> memref<1x400xi32, #tpu.memory_space<hbm>>
      %dma_start3A_43 = tpu.memref_squeeze %dma_start3A_42 : memref<1x400xi32, #tpu.memory_space<hbm>> -> memref<400xi32, #tpu.memory_space<hbm>>
      %dma_start3A_44 = arith.constant 0 : i32
      %dma_start3A_45 = tpu.memref_slice %arg6[%dma_start3A_38, %dma_start3A_44] : memref<4x400xi32, #tpu.memory_space<vmem>> -> memref<1x400xi32, #tpu.memory_space<vmem>>
      %dma_start3A_46 = tpu.memref_squeeze %dma_start3A_45 : memref<1x400xi32, #tpu.memory_space<vmem>> -> memref<400xi32, #tpu.memory_space<vmem>>
      %dma_start3A_47 = tpu.memref_slice %arg3[%dma_start3A_37, %add3A_25] : memref<2x6400000xi32, #tpu.memory_space<hbm>> -> memref<1x400xi32, #tpu.memory_space<hbm>>
      %dma_start3A_48 = tpu.memref_squeeze %dma_start3A_47 : memref<1x400xi32, #tpu.memory_space<hbm>> -> memref<400xi32, #tpu.memory_space<hbm>>
      tpu.enqueue_dma source(%dma_start3A_48 : memref<400xi32, #tpu.memory_space<hbm>>) target(%dma_start3A_46 : memref<400xi32, #tpu.memory_space<vmem>>) target_semaphore(%arg10 : memref<!tpu.dma_semaphore, #tpu.memory_space<semaphore_mem>>)
      %scan3A_49 = arith.constant 0 : i32
      %scan3A_50 = arith.constant 500 : i32
      %scan3A_51 = arith.addi %scan3A_49, %scan3A_50 : i32
      %scan3A_52 = arith.constant 1 : i32
      scf.for %scan3A_120 = %scan3A_49 to %scan3A_51 step %scan3A_52  : i32 {
        %mul3A_121 = arith.constant 1 : i32
        %mul3A_122 = arith.muli %scan3A_120, %mul3A_121 : i32
        %add3A_123 = arith.constant 0 : i32
        %add3A_124 = arith.addi %add3A_123, %mul3A_122 : i32
        %rem3A = arith.constant 4 : i32
        %rem3A_125 = arith.remsi %add3A_124, %rem3A : i32
        %rem3A_126 = arith.constant 3 : i32
        %rem3A_127 = arith.remsi %add3A_124, %rem3A_126 : i32
        %add3A_128 = arith.constant 3 : i32
        %add3A_129 = arith.addi %add3A_124, %add3A_128 : i32
        %rem3A_130 = arith.constant 4 : i32
        %rem3A_131 = arith.remsi %add3A_129, %rem3A_130 : i32
        %add3A_132 = arith.constant 2 : i32
        %add3A_133 = arith.addi %add3A_124, %add3A_132 : i32
        %rem3A_134 = arith.constant 3 : i32
        %rem3A_135 = arith.remsi %add3A_133, %rem3A_134 : i32
        %mul3A_136 = arith.constant 400 : i32
        %mul3A_137 = arith.muli %add3A_124, %mul3A_136 : i32
        %add3A_138 = arith.addi %add3A, %mul3A_137 : i32
        %dma_wait3A_139 = arith.constant 0 : i32
        %dma_wait3A_140 = arith.constant 0 : i32
        %dma_wait3A_141 = tpu.memref_slice %arg5[%rem3A_125, %dma_wait3A_140] : memref<4x400xi32, #tpu.memory_space<vmem>> -> memref<1x400xi32, #tpu.memory_space<vmem>>
        %dma_wait3A_142 = tpu.memref_squeeze %dma_wait3A_141 : memref<1x400xi32, #tpu.memory_space<vmem>> -> memref<400xi32, #tpu.memory_space<vmem>>
        %dma_wait3A_143 = tpu.memref_slice %arg3[%dma_wait3A_139, %add3A_138] : memref<2x6400000xi32, #tpu.memory_space<hbm>> -> memref<1x400xi32, #tpu.memory_space<hbm>>
        %dma_wait3A_144 = tpu.memref_squeeze %dma_wait3A_143 : memref<1x400xi32, #tpu.memory_space<hbm>> -> memref<400xi32, #tpu.memory_space<hbm>>
        %dma_wait3A_145 = arith.constant 0 : i32
        %dma_wait3A_146 = tpu.memref_slice %arg5[%rem3A_125, %dma_wait3A_145] : memref<4x400xi32, #tpu.memory_space<vmem>> -> memref<1x400xi32, #tpu.memory_space<vmem>>
        %dma_wait3A_147 = tpu.memref_squeeze %dma_wait3A_146 : memref<1x400xi32, #tpu.memory_space<vmem>> -> memref<400xi32, #tpu.memory_space<vmem>>
        %dma_wait3A_148 = tpu.memref_slice %arg3[%dma_wait3A_139, %add3A_138] : memref<2x6400000xi32, #tpu.memory_space<hbm>> -> memref<1x400xi32, #tpu.memory_space<hbm>>
        %dma_wait3A_149 = tpu.memref_squeeze %dma_wait3A_148 : memref<1x400xi32, #tpu.memory_space<hbm>> -> memref<400xi32, #tpu.memory_space<hbm>>
        tpu.wait_dma2 semaphore(%arg10 : memref<!tpu.dma_semaphore, #tpu.memory_space<semaphore_mem>>) src(%dma_wait3A_149 : memref<400xi32, #tpu.memory_space<hbm>>) dst(%dma_wait3A_147 : memref<400xi32, #tpu.memory_space<vmem>>)
        %dma_wait3A_150 = arith.constant 1 : i32
        %dma_wait3A_151 = arith.constant 0 : i32
        %dma_wait3A_152 = tpu.memref_slice %arg6[%rem3A_125, %dma_wait3A_151] : memref<4x400xi32, #tpu.memory_space<vmem>> -> memref<1x400xi32, #tpu.memory_space<vmem>>
        %dma_wait3A_153 = tpu.memref_squeeze %dma_wait3A_152 : memref<1x400xi32, #tpu.memory_space<vmem>> -> memref<400xi32, #tpu.memory_space<vmem>>
        %dma_wait3A_154 = tpu.memref_slice %arg3[%dma_wait3A_150, %add3A_138] : memref<2x6400000xi32, #tpu.memory_space<hbm>> -> memref<1x400xi32, #tpu.memory_space<hbm>>
        %dma_wait3A_155 = tpu.memref_squeeze %dma_wait3A_154 : memref<1x400xi32, #tpu.memory_space<hbm>> -> memref<400xi32, #tpu.memory_space<hbm>>
        %dma_wait3A_156 = arith.constant 0 : i32
        %dma_wait3A_157 = tpu.memref_slice %arg6[%rem3A_125, %dma_wait3A_156] : memref<4x400xi32, #tpu.memory_space<vmem>> -> memref<1x400xi32, #tpu.memory_space<vmem>>
        %dma_wait3A_158 = tpu.memref_squeeze %dma_wait3A_157 : memref<1x400xi32, #tpu.memory_space<vmem>> -> memref<400xi32, #tpu.memory_space<vmem>>
        %dma_wait3A_159 = tpu.memref_slice %arg3[%dma_wait3A_150, %add3A_138] : memref<2x6400000xi32, #tpu.memory_space<hbm>> -> memref<1x400xi32, #tpu.memory_space<hbm>>
        %dma_wait3A_160 = tpu.memref_squeeze %dma_wait3A_159 : memref<1x400xi32, #tpu.memory_space<hbm>> -> memref<400xi32, #tpu.memory_space<hbm>>
        tpu.wait_dma2 semaphore(%arg10 : memref<!tpu.dma_semaphore, #tpu.memory_space<semaphore_mem>>) src(%dma_wait3A_160 : memref<400xi32, #tpu.memory_space<hbm>>) dst(%dma_wait3A_158 : memref<400xi32, #tpu.memory_space<vmem>>)
        %get3A = arith.index_cast %rem3A_125 : i32 to index
        %get3A_161 = arith.constant 0 : index
        %get3A_162 = tpu.vector_load %arg5[%get3A, %get3A_161] {strides = array<i32>} : memref<4x400xi32, #tpu.memory_space<vmem>>, vector<1x16xi32>,
        %get3A_163 = vector.shape_cast %get3A_162 : vector<1x16xi32> to vector<16xi32>
        %mul3A_164 = arith.constant 4 : i32
        %mul3A_165 = vector.broadcast %mul3A_164 : i32 to vector<16xi32>
        %mul3A_166 = arith.muli %get3A_163, %mul3A_165 : vector<16xi32>
        %add3A_167 = vector.broadcast %add3A_18 : i32 to vector<16xi32>
        %add3A_168 = arith.addi %mul3A_166, %add3A_167 : vector<16xi32>
        %swap3A = arith.index_cast %rem3A_125 : i32 to index
        %swap3A_169 = arith.constant 0 : index
        %swap3A_170 = tpu.vector_load %arg5[%swap3A, %swap3A_169] {strides = array<i32>} : memref<4x400xi32, #tpu.memory_space<vmem>>, vector<1x16xi32>,
        %swap3A_171 = vector.shape_cast %swap3A_170 : vector<1x16xi32> to vector<16xi32>
        %swap3A_172 = vector.shape_cast %add3A_168 : vector<16xi32> to vector<1x16xi32>
        tpu.vector_store %arg5[%swap3A, %swap3A_169], %swap3A_172 {strides = array<i32>} : memref<4x400xi32, #tpu.memory_space<vmem>>, vector<1x16xi32>,
        %get3A_173 = arith.index_cast %rem3A_125 : i32 to index
        %get3A_174 = arith.constant 16 : index
        %get3A_175 = tpu.vector_load %arg5[%get3A_173, %get3A_174] {strides = array<i32>} : memref<4x400xi32, #tpu.memory_space<vmem>>, vector<1x16xi32>,
        %get3A_176 = vector.shape_cast %get3A_175 : vector<1x16xi32> to vector<16xi32>
        %mul3A_177 = arith.constant 4 : i32
        %mul3A_178 = vector.broadcast %mul3A_177 : i32 to vector<16xi32>
        %mul3A_179 = arith.muli %get3A_176, %mul3A_178 : vector<16xi32>
        %add3A_180 = vector.broadcast %add3A_18 : i32 to vector<16xi32>
        %add3A_181 = arith.addi %mul3A_179, %add3A_180 : vector<16xi32>
        %swap3A_182 = arith.index_cast %rem3A_125 : i32 to index
        %swap3A_183 = arith.constant 16 : index
        %swap3A_184 = tpu.vector_load %arg5[%swap3A_182, %swap3A_183] {strides = array<i32>} : memref<4x400xi32, #tpu.memory_space<vmem>>, vector<1x16xi32>,
        %swap3A_185 = vector.shape_cast %swap3A_184 : vector<1x16xi32> to vector<16xi32>
        %swap3A_186 = vector.shape_cast %add3A_181 : vector<16xi32> to vector<1x16xi32>
        tpu.vector_store %arg5[%swap3A_182, %swap3A_183], %swap3A_186 {strides = array<i32>} : memref<4x400xi32, #tpu.memory_space<vmem>>, vector<1x16xi32>,
        %get3A_187 = arith.index_cast %rem3A_125 : i32 to index
        %get3A_188 = arith.constant 32 : index
        %get3A_189 = tpu.vector_load %arg5[%get3A_187, %get3A_188] {strides = array<i32>} : memref<4x400xi32, #tpu.memory_space<vmem>>, vector<1x16xi32>,
        %get3A_190 = vector.shape_cast %get3A_189 : vector<1x16xi32> to vector<16xi32>
        %mul3A_191 = arith.constant 4 : i32
        %mul3A_192 = vector.broadcast %mul3A_191 : i32 to vector<16xi32>
        %mul3A_193 = arith.muli %get3A_190, %mul3A_192 : vector<16xi32>
        %add3A_194 = vector.broadcast %add3A_18 : i32 to vector<16xi32>
        %add3A_195 = arith.addi %mul3A_193, %add3A_194 : vector<16xi32>
        %swap3A_196 = arith.index_cast %rem3A_125 : i32 to index
        %swap3A_197 = arith.constant 32 : index
        %swap3A_198 = tpu.vector_load %arg5[%swap3A_196, %swap3A_197] {strides = array<i32>} : memref<4x400xi32, #tpu.memory_space<vmem>>, vector<1x16xi32>,
        %swap3A_199 = vector.shape_cast %swap3A_198 : vector<1x16xi32> to vector<16xi32>
        %swap3A_200 = vector.shape_cast %add3A_195 : vector<16xi32> to vector<1x16xi32>
        tpu.vector_store %arg5[%swap3A_196, %swap3A_197], %swap3A_200 {strides = array<i32>} : memref<4x400xi32, #tpu.memory_space<vmem>>, vector<1x16xi32>,
        %get3A_201 = arith.index_cast %rem3A_125 : i32 to index
        %get3A_202 = arith.constant 48 : index
        %get3A_203 = tpu.vector_load %arg5[%get3A_201, %get3A_202] {strides = array<i32>} : memref<4x400xi32, #tpu.memory_space<vmem>>, vector<1x16xi32>,
        %get3A_204 = vector.shape_cast %get3A_203 : vector<1x16xi32> to vector<16xi32>
        %mul3A_205 = arith.constant 4 : i32
        %mul3A_206 = vector.broadcast %mul3A_205 : i32 to vector<16xi32>
        %mul3A_207 = arith.muli %get3A_204, %mul3A_206 : vector<16xi32>
        %add3A_208 = vector.broadcast %add3A_18 : i32 to vector<16xi32>
        %add3A_209 = arith.addi %mul3A_207, %add3A_208 : vector<16xi32>
        %swap3A_210 = arith.index_cast %rem3A_125 : i32 to index
        %swap3A_211 = arith.constant 48 : index
        %swap3A_212 = tpu.vector_load %arg5[%swap3A_210, %swap3A_211] {strides = array<i32>} : memref<4x400xi32, #tpu.memory_space<vmem>>, vector<1x16xi32>,
        %swap3A_213 = vector.shape_cast %swap3A_212 : vector<1x16xi32> to vector<16xi32>
        %swap3A_214 = vector.shape_cast %add3A_209 : vector<16xi32> to vector<1x16xi32>
        tpu.vector_store %arg5[%swap3A_210, %swap3A_211], %swap3A_214 {strides = array<i32>} : memref<4x400xi32, #tpu.memory_space<vmem>>, vector<1x16xi32>,
        %get3A_215 = arith.index_cast %rem3A_125 : i32 to index
        %get3A_216 = arith.constant 64 : index
        %get3A_217 = tpu.vector_load %arg5[%get3A_215, %get3A_216] {strides = array<i32>} : memref<4x400xi32, #tpu.memory_space<vmem>>, vector<1x16xi32>,
        %get3A_218 = vector.shape_cast %get3A_217 : vector<1x16xi32> to vector<16xi32>
        %mul3A_219 = arith.constant 4 : i32
        %mul3A_220 = vector.broadcast %mul3A_219 : i32 to vector<16xi32>
        %mul3A_221 = arith.muli %get3A_218, %mul3A_220 : vector<16xi32>
        %add3A_222 = vector.broadcast %add3A_18 : i32 to vector<16xi32>
        %add3A_223 = arith.addi %mul3A_221, %add3A_222 : vector<16xi32>
        %swap3A_224 = arith.index_cast %rem3A_125 : i32 to index
        %swap3A_225 = arith.constant 64 : index
        %swap3A_226 = tpu.vector_load %arg5[%swap3A_224, %swap3A_225] {strides = array<i32>} : memref<4x400xi32, #tpu.memory_space<vmem>>, vector<1x16xi32>,
        %swap3A_227 = vector.shape_cast %swap3A_226 : vector<1x16xi32> to vector<16xi32>
        %swap3A_228 = vector.shape_cast %add3A_223 : vector<16xi32> to vector<1x16xi32>
        tpu.vector_store %arg5[%swap3A_224, %swap3A_225], %swap3A_228 {strides = array<i32>} : memref<4x400xi32, #tpu.memory_space<vmem>>, vector<1x16xi32>,
        %get3A_229 = arith.index_cast %rem3A_125 : i32 to index
        %get3A_230 = arith.constant 80 : index
        %get3A_231 = tpu.vector_load %arg5[%get3A_229, %get3A_230] {strides = array<i32>} : memref<4x400xi32, #tpu.memory_space<vmem>>, vector<1x16xi32>,
        %get3A_232 = vector.shape_cast %get3A_231 : vector<1x16xi32> to vector<16xi32>
        %mul3A_233 = arith.constant 4 : i32
        %mul3A_234 = vector.broadcast %mul3A_233 : i32 to vector<16xi32>
        %mul3A_235 = arith.muli %get3A_232, %mul3A_234 : vector<16xi32>
        %add3A_236 = vector.broadcast %add3A_18 : i32 to vector<16xi32>
        %add3A_237 = arith.addi %mul3A_235, %add3A_236 : vector<16xi32>
        %swap3A_238 = arith.index_cast %rem3A_125 : i32 to index
        %swap3A_239 = arith.constant 80 : index
        %swap3A_240 = tpu.vector_load %arg5[%swap3A_238, %swap3A_239] {strides = array<i32>} : memref<4x400xi32, #tpu.memory_space<vmem>>, vector<1x16xi32>,
        %swap3A_241 = vector.shape_cast %swap3A_240 : vector<1x16xi32> to vector<16xi32>
        %swap3A_242 = vector.shape_cast %add3A_237 : vector<16xi32> to vector<1x16xi32>
        tpu.vector_store %arg5[%swap3A_238, %swap3A_239], %swap3A_242 {strides = array<i32>} : memref<4x400xi32, #tpu.memory_space<vmem>>, vector<1x16xi32>,
        %get3A_243 = arith.index_cast %rem3A_125 : i32 to index
        %get3A_244 = arith.constant 96 : index
        %get3A_245 = tpu.vector_load %arg5[%get3A_243, %get3A_244] {strides = array<i32>} : memref<4x400xi32, #tpu.memory_space<vmem>>, vector<1x16xi32>,
        %get3A_246 = vector.shape_cast %get3A_245 : vector<1x16xi32> to vector<16xi32>
        %mul3A_247 = arith.constant 4 : i32
        %mul3A_248 = vector.broadcast %mul3A_247 : i32 to vector<16xi32>
        %mul3A_249 = arith.muli %get3A_246, %mul3A_248 : vector<16xi32>
        %add3A_250 = vector.broadcast %add3A_18 : i32 to vector<16xi32>
        %add3A_251 = arith.addi %mul3A_249, %add3A_250 : vector<16xi32>
        %swap3A_252 = arith.index_cast %rem3A_125 : i32 to index
        %swap3A_253 = arith.constant 96 : index
        %swap3A_254 = tpu.vector_load %arg5[%swap3A_252, %swap3A_253] {strides = array<i32>} : memref<4x400xi32, #tpu.memory_space<vmem>>, vector<1x16xi32>,
        %swap3A_255 = vector.shape_cast %swap3A_254 : vector<1x16xi32> to vector<16xi32>
        %swap3A_256 = vector.shape_cast %add3A_251 : vector<16xi32> to vector<1x16xi32>
        tpu.vector_store %arg5[%swap3A_252, %swap3A_253], %swap3A_256 {strides = array<i32>} : memref<4x400xi32, #tpu.memory_space<vmem>>, vector<1x16xi32>,
        %get3A_257 = arith.index_cast %rem3A_125 : i32 to index
        %get3A_258 = arith.constant 112 : index
        %get3A_259 = tpu.vector_load %arg5[%get3A_257, %get3A_258] {strides = array<i32>} : memref<4x400xi32, #tpu.memory_space<vmem>>, vector<1x16xi32>,
        %get3A_260 = vector.shape_cast %get3A_259 : vector<1x16xi32> to vector<16xi32>
        %mul3A_261 = arith.constant 4 : i32
        %mul3A_262 = vector.broadcast %mul3A_261 : i32 to vector<16xi32>
        %mul3A_263 = arith.muli %get3A_260, %mul3A_262 : vector<16xi32>
        %add3A_264 = vector.broadcast %add3A_18 : i32 to vector<16xi32>
        %add3A_265 = arith.addi %mul3A_263, %add3A_264 : vector<16xi32>
        %swap3A_266 = arith.index_cast %rem3A_125 : i32 to index
        %swap3A_267 = arith.constant 112 : index
        %swap3A_268 = tpu.vector_load %arg5[%swap3A_266, %swap3A_267] {strides = array<i32>} : memref<4x400xi32, #tpu.memory_space<vmem>>, vector<1x16xi32>,
        %swap3A_269 = vector.shape_cast %swap3A_268 : vector<1x16xi32> to vector<16xi32>
        %swap3A_270 = vector.shape_cast %add3A_265 : vector<16xi32> to vector<1x16xi32>
        tpu.vector_store %arg5[%swap3A_266, %swap3A_267], %swap3A_270 {strides = array<i32>} : memref<4x400xi32, #tpu.memory_space<vmem>>, vector<1x16xi32>,
        %get3A_271 = arith.index_cast %rem3A_125 : i32 to index
        %get3A_272 = arith.constant 128 : index
        %get3A_273 = tpu.vector_load %arg5[%get3A_271, %get3A_272] {strides = array<i32>} : memref<4x400xi32, #tpu.memory_space<vmem>>, vector<1x16xi32>,
        %get3A_274 = vector.shape_cast %get3A_273 : vector<1x16xi32> to vector<16xi32>
        %mul3A_275 = arith.constant 4 : i32
        %mul3A_276 = vector.broadcast %mul3A_275 : i32 to vector<16xi32>
        %mul3A_277 = arith.muli %get3A_274, %mul3A_276 : vector<16xi32>
        %add3A_278 = vector.broadcast %add3A_18 : i32 to vector<16xi32>
        %add3A_279 = arith.addi %mul3A_277, %add3A_278 : vector<16xi32>
        %swap3A_280 = arith.index_cast %rem3A_125 : i32 to index
        %swap3A_281 = arith.constant 128 : index
        %swap3A_282 = tpu.vector_load %arg5[%swap3A_280, %swap3A_281] {strides = array<i32>} : memref<4x400xi32, #tpu.memory_space<vmem>>, vector<1x16xi32>,
        %swap3A_283 = vector.shape_cast %swap3A_282 : vector<1x16xi32> to vector<16xi32>
        %swap3A_284 = vector.shape_cast %add3A_279 : vector<16xi32> to vector<1x16xi32>
        tpu.vector_store %arg5[%swap3A_280, %swap3A_281], %swap3A_284 {strides = array<i32>} : memref<4x400xi32, #tpu.memory_space<vmem>>, vector<1x16xi32>,
        %get3A_285 = arith.index_cast %rem3A_125 : i32 to index
        %get3A_286 = arith.constant 144 : index
        %get3A_287 = tpu.vector_load %arg5[%get3A_285, %get3A_286] {strides = array<i32>} : memref<4x400xi32, #tpu.memory_space<vmem>>, vector<1x16xi32>,
        %get3A_288 = vector.shape_cast %get3A_287 : vector<1x16xi32> to vector<16xi32>
        %mul3A_289 = arith.constant 4 : i32
        %mul3A_290 = vector.broadcast %mul3A_289 : i32 to vector<16xi32>
        %mul3A_291 = arith.muli %get3A_288, %mul3A_290 : vector<16xi32>
        %add3A_292 = vector.broadcast %add3A_18 : i32 to vector<16xi32>
        %add3A_293 = arith.addi %mul3A_291, %add3A_292 : vector<16xi32>
        %swap3A_294 = arith.index_cast %rem3A_125 : i32 to index
        %swap3A_295 = arith.constant 144 : index
        %swap3A_296 = tpu.vector_load %arg5[%swap3A_294, %swap3A_295] {strides = array<i32>} : memref<4x400xi32, #tpu.memory_space<vmem>>, vector<1x16xi32>,
        %swap3A_297 = vector.shape_cast %swap3A_296 : vector<1x16xi32> to vector<16xi32>
        %swap3A_298 = vector.shape_cast %add3A_293 : vector<16xi32> to vector<1x16xi32>
        tpu.vector_store %arg5[%swap3A_294, %swap3A_295], %swap3A_298 {strides = array<i32>} : memref<4x400xi32, #tpu.memory_space<vmem>>, vector<1x16xi32>,
        %get3A_299 = arith.index_cast %rem3A_125 : i32 to index
        %get3A_300 = arith.constant 160 : index
        %get3A_301 = tpu.vector_load %arg5[%get3A_299, %get3A_300] {strides = array<i32>} : memref<4x400xi32, #tpu.memory_space<vmem>>, vector<1x16xi32>,
        %get3A_302 = vector.shape_cast %get3A_301 : vector<1x16xi32> to vector<16xi32>
        %mul3A_303 = arith.constant 4 : i32
        %mul3A_304 = vector.broadcast %mul3A_303 : i32 to vector<16xi32>
        %mul3A_305 = arith.muli %get3A_302, %mul3A_304 : vector<16xi32>
        %add3A_306 = vector.broadcast %add3A_18 : i32 to vector<16xi32>
        %add3A_307 = arith.addi %mul3A_305, %add3A_306 : vector<16xi32>
        %swap3A_308 = arith.index_cast %rem3A_125 : i32 to index
        %swap3A_309 = arith.constant 160 : index
        %swap3A_310 = tpu.vector_load %arg5[%swap3A_308, %swap3A_309] {strides = array<i32>} : memref<4x400xi32, #tpu.memory_space<vmem>>, vector<1x16xi32>,
        %swap3A_311 = vector.shape_cast %swap3A_310 : vector<1x16xi32> to vector<16xi32>
        %swap3A_312 = vector.shape_cast %add3A_307 : vector<16xi32> to vector<1x16xi32>
        tpu.vector_store %arg5[%swap3A_308, %swap3A_309], %swap3A_312 {strides = array<i32>} : memref<4x400xi32, #tpu.memory_space<vmem>>, vector<1x16xi32>,
        %get3A_313 = arith.index_cast %rem3A_125 : i32 to index
        %get3A_314 = arith.constant 176 : index
        %get3A_315 = tpu.vector_load %arg5[%get3A_313, %get3A_314] {strides = array<i32>} : memref<4x400xi32, #tpu.memory_space<vmem>>, vector<1x16xi32>,
        %get3A_316 = vector.shape_cast %get3A_315 : vector<1x16xi32> to vector<16xi32>
        %mul3A_317 = arith.constant 4 : i32
        %mul3A_318 = vector.broadcast %mul3A_317 : i32 to vector<16xi32>
        %mul3A_319 = arith.muli %get3A_316, %mul3A_318 : vector<16xi32>
        %add3A_320 = vector.broadcast %add3A_18 : i32 to vector<16xi32>
        %add3A_321 = arith.addi %mul3A_319, %add3A_320 : vector<16xi32>
        %swap3A_322 = arith.index_cast %rem3A_125 : i32 to index
        %swap3A_323 = arith.constant 176 : index
        %swap3A_324 = tpu.vector_load %arg5[%swap3A_322, %swap3A_323] {strides = array<i32>} : memref<4x400xi32, #tpu.memory_space<vmem>>, vector<1x16xi32>,
        %swap3A_325 = vector.shape_cast %swap3A_324 : vector<1x16xi32> to vector<16xi32>
        %swap3A_326 = vector.shape_cast %add3A_321 : vector<16xi32> to vector<1x16xi32>
        tpu.vector_store %arg5[%swap3A_322, %swap3A_323], %swap3A_326 {strides = array<i32>} : memref<4x400xi32, #tpu.memory_space<vmem>>, vector<1x16xi32>,
        %get3A_327 = arith.index_cast %rem3A_125 : i32 to index
        %get3A_328 = arith.constant 192 : index
        %get3A_329 = tpu.vector_load %arg5[%get3A_327, %get3A_328] {strides = array<i32>} : memref<4x400xi32, #tpu.memory_space<vmem>>, vector<1x16xi32>,
        %get3A_330 = vector.shape_cast %get3A_329 : vector<1x16xi32> to vector<16xi32>
        %mul3A_331 = arith.constant 4 : i32
        %mul3A_332 = vector.broadcast %mul3A_331 : i32 to vector<16xi32>
        %mul3A_333 = arith.muli %get3A_330, %mul3A_332 : vector<16xi32>
        %add3A_334 = vector.broadcast %add3A_18 : i32 to vector<16xi32>
        %add3A_335 = arith.addi %mul3A_333, %add3A_334 : vector<16xi32>
        %swap3A_336 = arith.index_cast %rem3A_125 : i32 to index
        %swap3A_337 = arith.constant 192 : index
        %swap3A_338 = tpu.vector_load %arg5[%swap3A_336, %swap3A_337] {strides = array<i32>} : memref<4x400xi32, #tpu.memory_space<vmem>>, vector<1x16xi32>,
        %swap3A_339 = vector.shape_cast %swap3A_338 : vector<1x16xi32> to vector<16xi32>
        %swap3A_340 = vector.shape_cast %add3A_335 : vector<16xi32> to vector<1x16xi32>
        tpu.vector_store %arg5[%swap3A_336, %swap3A_337], %swap3A_340 {strides = array<i32>} : memref<4x400xi32, #tpu.memory_space<vmem>>, vector<1x16xi32>,
        %get3A_341 = arith.index_cast %rem3A_125 : i32 to index
        %get3A_342 = arith.constant 208 : index
        %get3A_343 = tpu.vector_load %arg5[%get3A_341, %get3A_342] {strides = array<i32>} : memref<4x400xi32, #tpu.memory_space<vmem>>, vector<1x16xi32>,
        %get3A_344 = vector.shape_cast %get3A_343 : vector<1x16xi32> to vector<16xi32>
        %mul3A_345 = arith.constant 4 : i32
        %mul3A_346 = vector.broadcast %mul3A_345 : i32 to vector<16xi32>
        %mul3A_347 = arith.muli %get3A_344, %mul3A_346 : vector<16xi32>
        %add3A_348 = vector.broadcast %add3A_18 : i32 to vector<16xi32>
        %add3A_349 = arith.addi %mul3A_347, %add3A_348 : vector<16xi32>
        %swap3A_350 = arith.index_cast %rem3A_125 : i32 to index
        %swap3A_351 = arith.constant 208 : index
        %swap3A_352 = tpu.vector_load %arg5[%swap3A_350, %swap3A_351] {strides = array<i32>} : memref<4x400xi32, #tpu.memory_space<vmem>>, vector<1x16xi32>,
        %swap3A_353 = vector.shape_cast %swap3A_352 : vector<1x16xi32> to vector<16xi32>
        %swap3A_354 = vector.shape_cast %add3A_349 : vector<16xi32> to vector<1x16xi32>
        tpu.vector_store %arg5[%swap3A_350, %swap3A_351], %swap3A_354 {strides = array<i32>} : memref<4x400xi32, #tpu.memory_space<vmem>>, vector<1x16xi32>,
        %get3A_355 = arith.index_cast %rem3A_125 : i32 to index
        %get3A_356 = arith.constant 224 : index
        %get3A_357 = tpu.vector_load %arg5[%get3A_355, %get3A_356] {strides = array<i32>} : memref<4x400xi32, #tpu.memory_space<vmem>>, vector<1x16xi32>,
        %get3A_358 = vector.shape_cast %get3A_357 : vector<1x16xi32> to vector<16xi32>
        %mul3A_359 = arith.constant 4 : i32
        %mul3A_360 = vector.broadcast %mul3A_359 : i32 to vector<16xi32>
        %mul3A_361 = arith.muli %get3A_358, %mul3A_360 : vector<16xi32>
        %add3A_362 = vector.broadcast %add3A_18 : i32 to vector<16xi32>
        %add3A_363 = arith.addi %mul3A_361, %add3A_362 : vector<16xi32>
        %swap3A_364 = arith.index_cast %rem3A_125 : i32 to index
        %swap3A_365 = arith.constant 224 : index
        %swap3A_366 = tpu.vector_load %arg5[%swap3A_364, %swap3A_365] {strides = array<i32>} : memref<4x400xi32, #tpu.memory_space<vmem>>, vector<1x16xi32>,
        %swap3A_367 = vector.shape_cast %swap3A_366 : vector<1x16xi32> to vector<16xi32>
        %swap3A_368 = vector.shape_cast %add3A_363 : vector<16xi32> to vector<1x16xi32>
        tpu.vector_store %arg5[%swap3A_364, %swap3A_365], %swap3A_368 {strides = array<i32>} : memref<4x400xi32, #tpu.memory_space<vmem>>, vector<1x16xi32>,
        %get3A_369 = arith.index_cast %rem3A_125 : i32 to index
        %get3A_370 = arith.constant 240 : index
        %get3A_371 = tpu.vector_load %arg5[%get3A_369, %get3A_370] {strides = array<i32>} : memref<4x400xi32, #tpu.memory_space<vmem>>, vector<1x16xi32>,
        %get3A_372 = vector.shape_cast %get3A_371 : vector<1x16xi32> to vector<16xi32>
        %mul3A_373 = arith.constant 4 : i32
        %mul3A_374 = vector.broadcast %mul3A_373 : i32 to vector<16xi32>
        %mul3A_375 = arith.muli %get3A_372, %mul3A_374 : vector<16xi32>
        %add3A_376 = vector.broadcast %add3A_18 : i32 to vector<16xi32>
        %add3A_377 = arith.addi %mul3A_375, %add3A_376 : vector<16xi32>
        %swap3A_378 = arith.index_cast %rem3A_125 : i32 to index
        %swap3A_379 = arith.constant 240 : index
        %swap3A_380 = tpu.vector_load %arg5[%swap3A_378, %swap3A_379] {strides = array<i32>} : memref<4x400xi32, #tpu.memory_space<vmem>>, vector<1x16xi32>,
        %swap3A_381 = vector.shape_cast %swap3A_380 : vector<1x16xi32> to vector<16xi32>
        %swap3A_382 = vector.shape_cast %add3A_377 : vector<16xi32> to vector<1x16xi32>
        tpu.vector_store %arg5[%swap3A_378, %swap3A_379], %swap3A_382 {strides = array<i32>} : memref<4x400xi32, #tpu.memory_space<vmem>>, vector<1x16xi32>,
        %get3A_383 = arith.index_cast %rem3A_125 : i32 to index
        %get3A_384 = arith.constant 256 : index
        %get3A_385 = tpu.vector_load %arg5[%get3A_383, %get3A_384] {strides = array<i32>} : memref<4x400xi32, #tpu.memory_space<vmem>>, vector<1x16xi32>,
        %get3A_386 = vector.shape_cast %get3A_385 : vector<1x16xi32> to vector<16xi32>
        %mul3A_387 = arith.constant 4 : i32
        %mul3A_388 = vector.broadcast %mul3A_387 : i32 to vector<16xi32>
        %mul3A_389 = arith.muli %get3A_386, %mul3A_388 : vector<16xi32>
        %add3A_390 = vector.broadcast %add3A_18 : i32 to vector<16xi32>
        %add3A_391 = arith.addi %mul3A_389, %add3A_390 : vector<16xi32>
        %swap3A_392 = arith.index_cast %rem3A_125 : i32 to index
        %swap3A_393 = arith.constant 256 : index
        %swap3A_394 = tpu.vector_load %arg5[%swap3A_392, %swap3A_393] {strides = array<i32>} : memref<4x400xi32, #tpu.memory_space<vmem>>, vector<1x16xi32>,
        %swap3A_395 = vector.shape_cast %swap3A_394 : vector<1x16xi32> to vector<16xi32>
        %swap3A_396 = vector.shape_cast %add3A_391 : vector<16xi32> to vector<1x16xi32>
        tpu.vector_store %arg5[%swap3A_392, %swap3A_393], %swap3A_396 {strides = array<i32>} : memref<4x400xi32, #tpu.memory_space<vmem>>, vector<1x16xi32>,
        %get3A_397 = arith.index_cast %rem3A_125 : i32 to index
        %get3A_398 = arith.constant 272 : index
        %get3A_399 = tpu.vector_load %arg5[%get3A_397, %get3A_398] {strides = array<i32>} : memref<4x400xi32, #tpu.memory_space<vmem>>, vector<1x16xi32>,
        %get3A_400 = vector.shape_cast %get3A_399 : vector<1x16xi32> to vector<16xi32>
        %mul3A_401 = arith.constant 4 : i32
        %mul3A_402 = vector.broadcast %mul3A_401 : i32 to vector<16xi32>
        %mul3A_403 = arith.muli %get3A_400, %mul3A_402 : vector<16xi32>
        %add3A_404 = vector.broadcast %add3A_18 : i32 to vector<16xi32>
        %add3A_405 = arith.addi %mul3A_403, %add3A_404 : vector<16xi32>
        %swap3A_406 = arith.index_cast %rem3A_125 : i32 to index
        %swap3A_407 = arith.constant 272 : index
        %swap3A_408 = tpu.vector_load %arg5[%swap3A_406, %swap3A_407] {strides = array<i32>} : memref<4x400xi32, #tpu.memory_space<vmem>>, vector<1x16xi32>,
        %swap3A_409 = vector.shape_cast %swap3A_408 : vector<1x16xi32> to vector<16xi32>
        %swap3A_410 = vector.shape_cast %add3A_405 : vector<16xi32> to vector<1x16xi32>
        tpu.vector_store %arg5[%swap3A_406, %swap3A_407], %swap3A_410 {strides = array<i32>} : memref<4x400xi32, #tpu.memory_space<vmem>>, vector<1x16xi32>,
        %get3A_411 = arith.index_cast %rem3A_125 : i32 to index
        %get3A_412 = arith.constant 288 : index
        %get3A_413 = tpu.vector_load %arg5[%get3A_411, %get3A_412] {strides = array<i32>} : memref<4x400xi32, #tpu.memory_space<vmem>>, vector<1x16xi32>,
        %get3A_414 = vector.shape_cast %get3A_413 : vector<1x16xi32> to vector<16xi32>
        %mul3A_415 = arith.constant 4 : i32
        %mul3A_416 = vector.broadcast %mul3A_415 : i32 to vector<16xi32>
        %mul3A_417 = arith.muli %get3A_414, %mul3A_416 : vector<16xi32>
        %add3A_418 = vector.broadcast %add3A_18 : i32 to vector<16xi32>
        %add3A_419 = arith.addi %mul3A_417, %add3A_418 : vector<16xi32>
        %swap3A_420 = arith.index_cast %rem3A_125 : i32 to index
        %swap3A_421 = arith.constant 288 : index
        %swap3A_422 = tpu.vector_load %arg5[%swap3A_420, %swap3A_421] {strides = array<i32>} : memref<4x400xi32, #tpu.memory_space<vmem>>, vector<1x16xi32>,
        %swap3A_423 = vector.shape_cast %swap3A_422 : vector<1x16xi32> to vector<16xi32>
        %swap3A_424 = vector.shape_cast %add3A_419 : vector<16xi32> to vector<1x16xi32>
        tpu.vector_store %arg5[%swap3A_420, %swap3A_421], %swap3A_424 {strides = array<i32>} : memref<4x400xi32, #tpu.memory_space<vmem>>, vector<1x16xi32>,
        %get3A_425 = arith.index_cast %rem3A_125 : i32 to index
        %get3A_426 = arith.constant 304 : index
        %get3A_427 = tpu.vector_load %arg5[%get3A_425, %get3A_426] {strides = array<i32>} : memref<4x400xi32, #tpu.memory_space<vmem>>, vector<1x16xi32>,
        %get3A_428 = vector.shape_cast %get3A_427 : vector<1x16xi32> to vector<16xi32>
        %mul3A_429 = arith.constant 4 : i32
        %mul3A_430 = vector.broadcast %mul3A_429 : i32 to vector<16xi32>
        %mul3A_431 = arith.muli %get3A_428, %mul3A_430 : vector<16xi32>
        %add3A_432 = vector.broadcast %add3A_18 : i32 to vector<16xi32>
        %add3A_433 = arith.addi %mul3A_431, %add3A_432 : vector<16xi32>
        %swap3A_434 = arith.index_cast %rem3A_125 : i32 to index
        %swap3A_435 = arith.constant 304 : index
        %swap3A_436 = tpu.vector_load %arg5[%swap3A_434, %swap3A_435] {strides = array<i32>} : memref<4x400xi32, #tpu.memory_space<vmem>>, vector<1x16xi32>,
        %swap3A_437 = vector.shape_cast %swap3A_436 : vector<1x16xi32> to vector<16xi32>
        %swap3A_438 = vector.shape_cast %add3A_433 : vector<16xi32> to vector<1x16xi32>
        tpu.vector_store %arg5[%swap3A_434, %swap3A_435], %swap3A_438 {strides = array<i32>} : memref<4x400xi32, #tpu.memory_space<vmem>>, vector<1x16xi32>,
        %get3A_439 = arith.index_cast %rem3A_125 : i32 to index
        %get3A_440 = arith.constant 320 : index
        %get3A_441 = tpu.vector_load %arg5[%get3A_439, %get3A_440] {strides = array<i32>} : memref<4x400xi32, #tpu.memory_space<vmem>>, vector<1x16xi32>,
        %get3A_442 = vector.shape_cast %get3A_441 : vector<1x16xi32> to vector<16xi32>
        %mul3A_443 = arith.constant 4 : i32
        %mul3A_444 = vector.broadcast %mul3A_443 : i32 to vector<16xi32>
        %mul3A_445 = arith.muli %get3A_442, %mul3A_444 : vector<16xi32>
        %add3A_446 = vector.broadcast %add3A_18 : i32 to vector<16xi32>
        %add3A_447 = arith.addi %mul3A_445, %add3A_446 : vector<16xi32>
        %swap3A_448 = arith.index_cast %rem3A_125 : i32 to index
        %swap3A_449 = arith.constant 320 : index
        %swap3A_450 = tpu.vector_load %arg5[%swap3A_448, %swap3A_449] {strides = array<i32>} : memref<4x400xi32, #tpu.memory_space<vmem>>, vector<1x16xi32>,
        %swap3A_451 = vector.shape_cast %swap3A_450 : vector<1x16xi32> to vector<16xi32>
        %swap3A_452 = vector.shape_cast %add3A_447 : vector<16xi32> to vector<1x16xi32>
        tpu.vector_store %arg5[%swap3A_448, %swap3A_449], %swap3A_452 {strides = array<i32>} : memref<4x400xi32, #tpu.memory_space<vmem>>, vector<1x16xi32>,
        %get3A_453 = arith.index_cast %rem3A_125 : i32 to index
        %get3A_454 = arith.constant 336 : index
        %get3A_455 = tpu.vector_load %arg5[%get3A_453, %get3A_454] {strides = array<i32>} : memref<4x400xi32, #tpu.memory_space<vmem>>, vector<1x16xi32>,
        %get3A_456 = vector.shape_cast %get3A_455 : vector<1x16xi32> to vector<16xi32>
        %mul3A_457 = arith.constant 4 : i32
        %mul3A_458 = vector.broadcast %mul3A_457 : i32 to vector<16xi32>
        %mul3A_459 = arith.muli %get3A_456, %mul3A_458 : vector<16xi32>
        %add3A_460 = vector.broadcast %add3A_18 : i32 to vector<16xi32>
        %add3A_461 = arith.addi %mul3A_459, %add3A_460 : vector<16xi32>
        %swap3A_462 = arith.index_cast %rem3A_125 : i32 to index
        %swap3A_463 = arith.constant 336 : index
        %swap3A_464 = tpu.vector_load %arg5[%swap3A_462, %swap3A_463] {strides = array<i32>} : memref<4x400xi32, #tpu.memory_space<vmem>>, vector<1x16xi32>,
        %swap3A_465 = vector.shape_cast %swap3A_464 : vector<1x16xi32> to vector<16xi32>
        %swap3A_466 = vector.shape_cast %add3A_461 : vector<16xi32> to vector<1x16xi32>
        tpu.vector_store %arg5[%swap3A_462, %swap3A_463], %swap3A_466 {strides = array<i32>} : memref<4x400xi32, #tpu.memory_space<vmem>>, vector<1x16xi32>,
        %get3A_467 = arith.index_cast %rem3A_125 : i32 to index
        %get3A_468 = arith.constant 352 : index
        %get3A_469 = tpu.vector_load %arg5[%get3A_467, %get3A_468] {strides = array<i32>} : memref<4x400xi32, #tpu.memory_space<vmem>>, vector<1x16xi32>,
        %get3A_470 = vector.shape_cast %get3A_469 : vector<1x16xi32> to vector<16xi32>
        %mul3A_471 = arith.constant 4 : i32
        %mul3A_472 = vector.broadcast %mul3A_471 : i32 to vector<16xi32>
        %mul3A_473 = arith.muli %get3A_470, %mul3A_472 : vector<16xi32>
        %add3A_474 = vector.broadcast %add3A_18 : i32 to vector<16xi32>
        %add3A_475 = arith.addi %mul3A_473, %add3A_474 : vector<16xi32>
        %swap3A_476 = arith.index_cast %rem3A_125 : i32 to index
        %swap3A_477 = arith.constant 352 : index
        %swap3A_478 = tpu.vector_load %arg5[%swap3A_476, %swap3A_477] {strides = array<i32>} : memref<4x400xi32, #tpu.memory_space<vmem>>, vector<1x16xi32>,
        %swap3A_479 = vector.shape_cast %swap3A_478 : vector<1x16xi32> to vector<16xi32>
        %swap3A_480 = vector.shape_cast %add3A_475 : vector<16xi32> to vector<1x16xi32>
        tpu.vector_store %arg5[%swap3A_476, %swap3A_477], %swap3A_480 {strides = array<i32>} : memref<4x400xi32, #tpu.memory_space<vmem>>, vector<1x16xi32>,
        %get3A_481 = arith.index_cast %rem3A_125 : i32 to index
        %get3A_482 = arith.constant 368 : index
        %get3A_483 = tpu.vector_load %arg5[%get3A_481, %get3A_482] {strides = array<i32>} : memref<4x400xi32, #tpu.memory_space<vmem>>, vector<1x16xi32>,
        %get3A_484 = vector.shape_cast %get3A_483 : vector<1x16xi32> to vector<16xi32>
        %mul3A_485 = arith.constant 4 : i32
        %mul3A_486 = vector.broadcast %mul3A_485 : i32 to vector<16xi32>
        %mul3A_487 = arith.muli %get3A_484, %mul3A_486 : vector<16xi32>
        %add3A_488 = vector.broadcast %add3A_18 : i32 to vector<16xi32>
        %add3A_489 = arith.addi %mul3A_487, %add3A_488 : vector<16xi32>
        %swap3A_490 = arith.index_cast %rem3A_125 : i32 to index
        %swap3A_491 = arith.constant 368 : index
        %swap3A_492 = tpu.vector_load %arg5[%swap3A_490, %swap3A_491] {strides = array<i32>} : memref<4x400xi32, #tpu.memory_space<vmem>>, vector<1x16xi32>,
        %swap3A_493 = vector.shape_cast %swap3A_492 : vector<1x16xi32> to vector<16xi32>
        %swap3A_494 = vector.shape_cast %add3A_489 : vector<16xi32> to vector<1x16xi32>
        tpu.vector_store %arg5[%swap3A_490, %swap3A_491], %swap3A_494 {strides = array<i32>} : memref<4x400xi32, #tpu.memory_space<vmem>>, vector<1x16xi32>,
        %get3A_495 = arith.index_cast %rem3A_125 : i32 to index
        %get3A_496 = arith.constant 384 : index
        %get3A_497 = tpu.vector_load %arg5[%get3A_495, %get3A_496] {strides = array<i32>} : memref<4x400xi32, #tpu.memory_space<vmem>>, vector<1x16xi32>,
        %get3A_498 = vector.shape_cast %get3A_497 : vector<1x16xi32> to vector<16xi32>
        %mul3A_499 = arith.constant 4 : i32
        %mul3A_500 = vector.broadcast %mul3A_499 : i32 to vector<16xi32>
        %mul3A_501 = arith.muli %get3A_498, %mul3A_500 : vector<16xi32>
        %add3A_502 = vector.broadcast %add3A_18 : i32 to vector<16xi32>
        %add3A_503 = arith.addi %mul3A_501, %add3A_502 : vector<16xi32>
        %swap3A_504 = arith.index_cast %rem3A_125 : i32 to index
        %swap3A_505 = arith.constant 384 : index
        %swap3A_506 = tpu.vector_load %arg5[%swap3A_504, %swap3A_505] {strides = array<i32>} : memref<4x400xi32, #tpu.memory_space<vmem>>, vector<1x16xi32>,
        %swap3A_507 = vector.shape_cast %swap3A_506 : vector<1x16xi32> to vector<16xi32>
        %swap3A_508 = vector.shape_cast %add3A_503 : vector<16xi32> to vector<1x16xi32>
        tpu.vector_store %arg5[%swap3A_504, %swap3A_505], %swap3A_508 {strides = array<i32>} : memref<4x400xi32, #tpu.memory_space<vmem>>, vector<1x16xi32>,
        %ge3A = arith.constant 3 : i32
        %ge3A_509 = arith.cmpi sge, %add3A_124, %ge3A : i32
        %convert_element_type3A = arith.extui %ge3A_509 : i1 to i32
        %cond3A = arith.constant 0 : i32
        %cond3A_510 = arith.cmpi ne, %convert_element_type3A, %cond3A : i32
        scf.if %cond3A_510 {
          %add3A_532 = arith.constant 1 : i32
          %add3A_533 = arith.addi %add3A_124, %add3A_532 : i32
          %rem3A_534 = arith.constant 4 : i32
          %rem3A_535 = arith.remsi %add3A_533, %rem3A_534 : i32
          %dma_wait3A_536 = arith.constant 0 : i32
          %dma_wait3A_537 = arith.constant 0 : i32
          %dma_wait3A_538 = tpu.memref_slice %arg7[%rem3A_127, %dma_wait3A_536, %dma_wait3A_537] : memref<3x400x16xf32, #tpu.memory_space<vmem>> -> memref<1x400x16xf32, #tpu.memory_space<vmem>>
          %dma_wait3A_539 = tpu.memref_squeeze %dma_wait3A_538 : memref<1x400x16xf32, #tpu.memory_space<vmem>> -> memref<400x16xf32, #tpu.memory_space<vmem>>
          %dma_wait3A_540 = arith.constant 0 : i32
          %dma_wait3A_541 = tpu.memref_slice %arg6[%rem3A_535, %dma_wait3A_540] : memref<4x400xi32, #tpu.memory_space<vmem>> -> memref<1x400xi32, #tpu.memory_space<vmem>>
          %dma_wait3A_542 = tpu.memref_squeeze %dma_wait3A_541 : memref<1x400xi32, #tpu.memory_space<vmem>> -> memref<400xi32, #tpu.memory_space<vmem>>
          %dma_wait3A_543 = arith.constant 0 : i32
          %dma_wait3A_544 = arith.constant 0 : i32
          %dma_wait3A_545 = tpu.memref_slice %arg9[%dma_wait3A_543, %dma_wait3A_544] : memref<100352x16xf32, #tpu.memory_space<vmem_shared>> -> memref<100352x16xf32, #tpu.memory_space<vmem_shared>>
          tpu.wait_indirect_dma semaphore(%arg12 : memref<!tpu.dma_semaphore, #tpu.memory_space<semaphore_mem>>) src(%dma_wait3A_539 : memref<400x16xf32, #tpu.memory_space<vmem>>) dst(%dma_wait3A_545 : memref<100352x16xf32, #tpu.memory_space<vmem_shared>>)
        } else {
        }
        %dma_start3A_511 = arith.constant 0 : i32
        %dma_start3A_512 = arith.constant 0 : i32
        %dma_start3A_513 = tpu.memref_slice %arg7[%rem3A_127, %dma_start3A_511, %dma_start3A_512] : memref<3x400x16xf32, #tpu.memory_space<vmem>> -> memref<1x400x16xf32, #tpu.memory_space<vmem>>
        %dma_start3A_514 = tpu.memref_squeeze %dma_start3A_513 : memref<1x400x16xf32, #tpu.memory_space<vmem>> -> memref<400x16xf32, #tpu.memory_space<vmem>>
        %dma_start3A_515 = arith.constant 0 : i32
        %dma_start3A_516 = tpu.memref_slice %arg5[%rem3A_125, %dma_start3A_515] : memref<4x400xi32, #tpu.memory_space<vmem>> -> memref<1x400xi32, #tpu.memory_space<vmem>>
        %dma_start3A_517 = tpu.memref_squeeze %dma_start3A_516 : memref<1x400xi32, #tpu.memory_space<vmem>> -> memref<400xi32, #tpu.memory_space<vmem>>
        %dma_start3A_518 = arith.constant 0 : i32
        %dma_start3A_519 = arith.constant 0 : i32
        %dma_start3A_520 = tpu.memref_slice %arg2[%dma_start3A_518, %dma_start3A_519] : memref<401408x16xf32, #tpu.memory_space<hbm>> -> memref<401408x16xf32, #tpu.memory_space<hbm>>
        tpu.enqueue_indirect_dma source(%dma_start3A_520 : memref<401408x16xf32, #tpu.memory_space<hbm>>) target(%dma_start3A_514 : memref<400x16xf32, #tpu.memory_space<vmem>>) offsets(%dma_start3A_517 : memref<400xi32, #tpu.memory_space<vmem>>) semaphore(%arg11 : memref<!tpu.dma_semaphore, #tpu.memory_space<semaphore_mem>>)
        %add3A_521 = arith.constant 1 : i32
        %add3A_522 = arith.addi %add3A_124, %add3A_521 : i32
        %lt3A = arith.constant 500 : i32
        %lt3A_523 = arith.cmpi slt, %add3A_522, %lt3A : i32
        %convert_element_type3A_524 = arith.extui %lt3A_523 : i1 to i32
        %cond3A_525 = arith.constant 0 : i32
        %cond3A_526 = arith.cmpi ne, %convert_element_type3A_524, %cond3A_525 : i32
        scf.if %cond3A_526 {
          %add3A_532 = arith.constant 1 : i32
          %add3A_533 = arith.addi %add3A_124, %add3A_532 : i32
          %add3A_534 = arith.constant 1 : i32
          %add3A_535 = arith.addi %add3A_124, %add3A_534 : i32
          %rem3A_536 = arith.constant 4 : i32
          %rem3A_537 = arith.remsi %add3A_535, %rem3A_536 : i32
          %mul3A_538 = arith.constant 400 : i32
          %mul3A_539 = arith.muli %add3A_533, %mul3A_538 : i32
          %add3A_540 = arith.addi %add3A, %mul3A_539 : i32
          %dma_start3A_541 = arith.constant 0 : i32
          %dma_start3A_542 = arith.constant 0 : i32
          %dma_start3A_543 = tpu.memref_slice %arg5[%rem3A_537, %dma_start3A_542] : memref<4x400xi32, #tpu.memory_space<vmem>> -> memref<1x400xi32, #tpu.memory_space<vmem>>
          %dma_start3A_544 = tpu.memref_squeeze %dma_start3A_543 : memref<1x400xi32, #tpu.memory_space<vmem>> -> memref<400xi32, #tpu.memory_space<vmem>>
          %dma_start3A_545 = tpu.memref_slice %arg3[%dma_start3A_541, %add3A_540] : memref<2x6400000xi32, #tpu.memory_space<hbm>> -> memref<1x400xi32, #tpu.memory_space<hbm>>
          %dma_start3A_546 = tpu.memref_squeeze %dma_start3A_545 : memref<1x400xi32, #tpu.memory_space<hbm>> -> memref<400xi32, #tpu.memory_space<hbm>>
          %dma_start3A_547 = arith.constant 0 : i32
          %dma_start3A_548 = tpu.memref_slice %arg5[%rem3A_537, %dma_start3A_547] : memref<4x400xi32, #tpu.memory_space<vmem>> -> memref<1x400xi32, #tpu.memory_space<vmem>>
          %dma_start3A_549 = tpu.memref_squeeze %dma_start3A_548 : memref<1x400xi32, #tpu.memory_space<vmem>> -> memref<400xi32, #tpu.memory_space<vmem>>
          %dma_start3A_550 = tpu.memref_slice %arg3[%dma_start3A_541, %add3A_540] : memref<2x6400000xi32, #tpu.memory_space<hbm>> -> memref<1x400xi32, #tpu.memory_space<hbm>>
          %dma_start3A_551 = tpu.memref_squeeze %dma_start3A_550 : memref<1x400xi32, #tpu.memory_space<hbm>> -> memref<400xi32, #tpu.memory_space<hbm>>
          tpu.enqueue_dma source(%dma_start3A_551 : memref<400xi32, #tpu.memory_space<hbm>>) target(%dma_start3A_549 : memref<400xi32, #tpu.memory_space<vmem>>) target_semaphore(%arg10 : memref<!tpu.dma_semaphore, #tpu.memory_space<semaphore_mem>>)
          %dma_start3A_552 = arith.constant 1 : i32
          %dma_start3A_553 = arith.constant 0 : i32
          %dma_start3A_554 = tpu.memref_slice %arg6[%rem3A_537, %dma_start3A_553] : memref<4x400xi32, #tpu.memory_space<vmem>> -> memref<1x400xi32, #tpu.memory_space<vmem>>
          %dma_start3A_555 = tpu.memref_squeeze %dma_start3A_554 : memref<1x400xi32, #tpu.memory_space<vmem>> -> memref<400xi32, #tpu.memory_space<vmem>>
          %dma_start3A_556 = tpu.memref_slice %arg3[%dma_start3A_552, %add3A_540] : memref<2x6400000xi32, #tpu.memory_space<hbm>> -> memref<1x400xi32, #tpu.memory_space<hbm>>
          %dma_start3A_557 = tpu.memref_squeeze %dma_start3A_556 : memref<1x400xi32, #tpu.memory_space<hbm>> -> memref<400xi32, #tpu.memory_space<hbm>>
          %dma_start3A_558 = arith.constant 0 : i32
          %dma_start3A_559 = tpu.memref_slice %arg6[%rem3A_537, %dma_start3A_558] : memref<4x400xi32, #tpu.memory_space<vmem>> -> memref<1x400xi32, #tpu.memory_space<vmem>>
          %dma_start3A_560 = tpu.memref_squeeze %dma_start3A_559 : memref<1x400xi32, #tpu.memory_space<vmem>> -> memref<400xi32, #tpu.memory_space<vmem>>
          %dma_start3A_561 = tpu.memref_slice %arg3[%dma_start3A_552, %add3A_540] : memref<2x6400000xi32, #tpu.memory_space<hbm>> -> memref<1x400xi32, #tpu.memory_space<hbm>>
          %dma_start3A_562 = tpu.memref_squeeze %dma_start3A_561 : memref<1x400xi32, #tpu.memory_space<hbm>> -> memref<400xi32, #tpu.memory_space<hbm>>
          tpu.enqueue_dma source(%dma_start3A_562 : memref<400xi32, #tpu.memory_space<hbm>>) target(%dma_start3A_560 : memref<400xi32, #tpu.memory_space<vmem>>) target_semaphore(%arg10 : memref<!tpu.dma_semaphore, #tpu.memory_space<semaphore_mem>>)
        } else {
        }
        %ge3A_527 = arith.constant 1 : i32
        %ge3A_528 = arith.cmpi sge, %add3A_124, %ge3A_527 : i32
        %convert_element_type3A_529 = arith.extui %ge3A_528 : i1 to i32
        %cond3A_530 = arith.constant 0 : i32
        %cond3A_531 = arith.cmpi ne, %convert_element_type3A_529, %cond3A_530 : i32
        scf.if %cond3A_531 {
          %dma_wait3A_532 = arith.constant 0 : i32
          %dma_wait3A_533 = arith.constant 0 : i32
          %dma_wait3A_534 = tpu.memref_slice %arg7[%rem3A_135, %dma_wait3A_532, %dma_wait3A_533] : memref<3x400x16xf32, #tpu.memory_space<vmem>> -> memref<1x400x16xf32, #tpu.memory_space<vmem>>
          %dma_wait3A_535 = tpu.memref_squeeze %dma_wait3A_534 : memref<1x400x16xf32, #tpu.memory_space<vmem>> -> memref<400x16xf32, #tpu.memory_space<vmem>>
          %dma_wait3A_536 = arith.constant 0 : i32
          %dma_wait3A_537 = tpu.memref_slice %arg5[%rem3A_131, %dma_wait3A_536] : memref<4x400xi32, #tpu.memory_space<vmem>> -> memref<1x400xi32, #tpu.memory_space<vmem>>
          %dma_wait3A_538 = tpu.memref_squeeze %dma_wait3A_537 : memref<1x400xi32, #tpu.memory_space<vmem>> -> memref<400xi32, #tpu.memory_space<vmem>>
          %dma_wait3A_539 = arith.constant 0 : i32
          %dma_wait3A_540 = arith.constant 0 : i32
          %dma_wait3A_541 = tpu.memref_slice %arg2[%dma_wait3A_539, %dma_wait3A_540] : memref<401408x16xf32, #tpu.memory_space<hbm>> -> memref<401408x16xf32, #tpu.memory_space<hbm>>
          tpu.wait_indirect_dma semaphore(%arg11 : memref<!tpu.dma_semaphore, #tpu.memory_space<semaphore_mem>>) src(%dma_wait3A_541 : memref<401408x16xf32, #tpu.memory_space<hbm>>) dst(%dma_wait3A_535 : memref<400x16xf32, #tpu.memory_space<vmem>>)
          %dma_start3A_542 = arith.constant 0 : i32
          %dma_start3A_543 = arith.constant 0 : i32
          %dma_start3A_544 = tpu.memref_slice %arg7[%rem3A_135, %dma_start3A_542, %dma_start3A_543] : memref<3x400x16xf32, #tpu.memory_space<vmem>> -> memref<1x400x16xf32, #tpu.memory_space<vmem>>
          %dma_start3A_545 = tpu.memref_squeeze %dma_start3A_544 : memref<1x400x16xf32, #tpu.memory_space<vmem>> -> memref<400x16xf32, #tpu.memory_space<vmem>>
          %dma_start3A_546 = arith.constant 0 : i32
          %dma_start3A_547 = tpu.memref_slice %arg6[%rem3A_131, %dma_start3A_546] : memref<4x400xi32, #tpu.memory_space<vmem>> -> memref<1x400xi32, #tpu.memory_space<vmem>>
          %dma_start3A_548 = tpu.memref_squeeze %dma_start3A_547 : memref<1x400xi32, #tpu.memory_space<vmem>> -> memref<400xi32, #tpu.memory_space<vmem>>
          %dma_start3A_549 = arith.constant 0 : i32
          %dma_start3A_550 = arith.constant 0 : i32
          %dma_start3A_551 = tpu.memref_slice %arg9[%dma_start3A_549, %dma_start3A_550] : memref<100352x16xf32, #tpu.memory_space<vmem_shared>> -> memref<100352x16xf32, #tpu.memory_space<vmem_shared>>
          tpu.enqueue_indirect_dma source(%dma_start3A_545 : memref<400x16xf32, #tpu.memory_space<vmem>>) target(%dma_start3A_551 : memref<100352x16xf32, #tpu.memory_space<vmem_shared>>) offsets(%dma_start3A_548 : memref<400xi32, #tpu.memory_space<vmem>>) semaphore(%arg12 : memref<!tpu.dma_semaphore, #tpu.memory_space<semaphore_mem>>) {add = true}
        } else {
        }
      }
      %scan3A_53 = arith.constant 500 : i32
      %dma_wait3A = arith.constant 3 : i32
      %dma_wait3A_54 = arith.constant 1 : i32
      %dma_wait3A_55 = arith.constant 0 : i32
      %dma_wait3A_56 = arith.constant 0 : i32
      %dma_wait3A_57 = tpu.memref_slice %arg7[%dma_wait3A_54, %dma_wait3A_55, %dma_wait3A_56] : memref<3x400x16xf32, #tpu.memory_space<vmem>> -> memref<1x400x16xf32, #tpu.memory_space<vmem>>
      %dma_wait3A_58 = tpu.memref_squeeze %dma_wait3A_57 : memref<1x400x16xf32, #tpu.memory_space<vmem>> -> memref<400x16xf32, #tpu.memory_space<vmem>>
      %dma_wait3A_59 = arith.constant 0 : i32
      %dma_wait3A_60 = tpu.memref_slice %arg5[%dma_wait3A, %dma_wait3A_59] : memref<4x400xi32, #tpu.memory_space<vmem>> -> memref<1x400xi32, #tpu.memory_space<vmem>>
      %dma_wait3A_61 = tpu.memref_squeeze %dma_wait3A_60 : memref<1x400xi32, #tpu.memory_space<vmem>> -> memref<400xi32, #tpu.memory_space<vmem>>
      %dma_wait3A_62 = arith.constant 0 : i32
      %dma_wait3A_63 = arith.constant 0 : i32
      %dma_wait3A_64 = tpu.memref_slice %arg2[%dma_wait3A_62, %dma_wait3A_63] : memref<401408x16xf32, #tpu.memory_space<hbm>> -> memref<401408x16xf32, #tpu.memory_space<hbm>>
      tpu.wait_indirect_dma semaphore(%arg11 : memref<!tpu.dma_semaphore, #tpu.memory_space<semaphore_mem>>) src(%dma_wait3A_64 : memref<401408x16xf32, #tpu.memory_space<hbm>>) dst(%dma_wait3A_58 : memref<400x16xf32, #tpu.memory_space<vmem>>)
      %dma_start3A_65 = arith.constant 1 : i32
      %dma_start3A_66 = arith.constant 3 : i32
      %dma_start3A_67 = arith.constant 0 : i32
      %dma_start3A_68 = arith.constant 0 : i32
      %dma_start3A_69 = tpu.memref_slice %arg7[%dma_start3A_65, %dma_start3A_67, %dma_start3A_68] : memref<3x400x16xf32, #tpu.memory_space<vmem>> -> memref<1x400x16xf32, #tpu.memory_space<vmem>>
      %dma_start3A_70 = tpu.memref_squeeze %dma_start3A_69 : memref<1x400x16xf32, #tpu.memory_space<vmem>> -> memref<400x16xf32, #tpu.memory_space<vmem>>
      %dma_start3A_71 = arith.constant 0 : i32
      %dma_start3A_72 = tpu.memref_slice %arg6[%dma_start3A_66, %dma_start3A_71] : memref<4x400xi32, #tpu.memory_space<vmem>> -> memref<1x400xi32, #tpu.memory_space<vmem>>
      %dma_start3A_73 = tpu.memref_squeeze %dma_start3A_72 : memref<1x400xi32, #tpu.memory_space<vmem>> -> memref<400xi32, #tpu.memory_space<vmem>>
      %dma_start3A_74 = arith.constant 0 : i32
      %dma_start3A_75 = arith.constant 0 : i32
      %dma_start3A_76 = tpu.memref_slice %arg9[%dma_start3A_74, %dma_start3A_75] : memref<100352x16xf32, #tpu.memory_space<vmem_shared>> -> memref<100352x16xf32, #tpu.memory_space<vmem_shared>>
      tpu.enqueue_indirect_dma source(%dma_start3A_70 : memref<400x16xf32, #tpu.memory_space<vmem>>) target(%dma_start3A_76 : memref<100352x16xf32, #tpu.memory_space<vmem_shared>>) offsets(%dma_start3A_73 : memref<400xi32, #tpu.memory_space<vmem>>) semaphore(%arg12 : memref<!tpu.dma_semaphore, #tpu.memory_space<semaphore_mem>>) {add = true}
      %dma_wait3A_77 = arith.constant 2 : i32
      %dma_wait3A_78 = arith.constant 1 : i32
      %dma_wait3A_79 = arith.constant 0 : i32
      %dma_wait3A_80 = arith.constant 0 : i32
      %dma_wait3A_81 = tpu.memref_slice %arg7[%dma_wait3A_77, %dma_wait3A_79, %dma_wait3A_80] : memref<3x400x16xf32, #tpu.memory_space<vmem>> -> memref<1x400x16xf32, #tpu.memory_space<vmem>>
      %dma_wait3A_82 = tpu.memref_squeeze %dma_wait3A_81 : memref<1x400x16xf32, #tpu.memory_space<vmem>> -> memref<400x16xf32, #tpu.memory_space<vmem>>
      %dma_wait3A_83 = arith.constant 0 : i32
      %dma_wait3A_84 = tpu.memref_slice %arg6[%dma_wait3A_78, %dma_wait3A_83] : memref<4x400xi32, #tpu.memory_space<vmem>> -> memref<1x400xi32, #tpu.memory_space<vmem>>
      %dma_wait3A_85 = tpu.memref_squeeze %dma_wait3A_84 : memref<1x400xi32, #tpu.memory_space<vmem>> -> memref<400xi32, #tpu.memory_space<vmem>>
      %dma_wait3A_86 = arith.constant 0 : i32
      %dma_wait3A_87 = arith.constant 0 : i32
      %dma_wait3A_88 = tpu.memref_slice %arg9[%dma_wait3A_86, %dma_wait3A_87] : memref<100352x16xf32, #tpu.memory_space<vmem_shared>> -> memref<100352x16xf32, #tpu.memory_space<vmem_shared>>
      tpu.wait_indirect_dma semaphore(%arg12 : memref<!tpu.dma_semaphore, #tpu.memory_space<semaphore_mem>>) src(%dma_wait3A_82 : memref<400x16xf32, #tpu.memory_space<vmem>>) dst(%dma_wait3A_88 : memref<100352x16xf32, #tpu.memory_space<vmem_shared>>)
      %dma_wait3A_89 = arith.constant 0 : i32
      %dma_wait3A_90 = arith.constant 2 : i32
      %dma_wait3A_91 = arith.constant 0 : i32
      %dma_wait3A_92 = arith.constant 0 : i32
      %dma_wait3A_93 = tpu.memref_slice %arg7[%dma_wait3A_89, %dma_wait3A_91, %dma_wait3A_92] : memref<3x400x16xf32, #tpu.memory_space<vmem>> -> memref<1x400x16xf32, #tpu.memory_space<vmem>>
      %dma_wait3A_94 = tpu.memref_squeeze %dma_wait3A_93 : memref<1x400x16xf32, #tpu.memory_space<vmem>> -> memref<400x16xf32, #tpu.memory_space<vmem>>
      %dma_wait3A_95 = arith.constant 0 : i32
      %dma_wait3A_96 = tpu.memref_slice %arg6[%dma_wait3A_90, %dma_wait3A_95] : memref<4x400xi32, #tpu.memory_space<vmem>> -> memref<1x400xi32, #tpu.memory_space<vmem>>
      %dma_wait3A_97 = tpu.memref_squeeze %dma_wait3A_96 : memref<1x400xi32, #tpu.memory_space<vmem>> -> memref<400xi32, #tpu.memory_space<vmem>>
      %dma_wait3A_98 = arith.constant 0 : i32
      %dma_wait3A_99 = arith.constant 0 : i32
      %dma_wait3A_100 = tpu.memref_slice %arg9[%dma_wait3A_98, %dma_wait3A_99] : memref<100352x16xf32, #tpu.memory_space<vmem_shared>> -> memref<100352x16xf32, #tpu.memory_space<vmem_shared>>
      tpu.wait_indirect_dma semaphore(%arg12 : memref<!tpu.dma_semaphore, #tpu.memory_space<semaphore_mem>>) src(%dma_wait3A_94 : memref<400x16xf32, #tpu.memory_space<vmem>>) dst(%dma_wait3A_100 : memref<100352x16xf32, #tpu.memory_space<vmem_shared>>)
      %dma_wait3A_101 = arith.constant 1 : i32
      %dma_wait3A_102 = arith.constant 3 : i32
      %dma_wait3A_103 = arith.constant 0 : i32
      %dma_wait3A_104 = arith.constant 0 : i32
      %dma_wait3A_105 = tpu.memref_slice %arg7[%dma_wait3A_101, %dma_wait3A_103, %dma_wait3A_104] : memref<3x400x16xf32, #tpu.memory_space<vmem>> -> memref<1x400x16xf32, #tpu.memory_space<vmem>>
      %dma_wait3A_106 = tpu.memref_squeeze %dma_wait3A_105 : memref<1x400x16xf32, #tpu.memory_space<vmem>> -> memref<400x16xf32, #tpu.memory_space<vmem>>
      %dma_wait3A_107 = arith.constant 0 : i32
      %dma_wait3A_108 = tpu.memref_slice %arg6[%dma_wait3A_102, %dma_wait3A_107] : memref<4x400xi32, #tpu.memory_space<vmem>> -> memref<1x400xi32, #tpu.memory_space<vmem>>
      %dma_wait3A_109 = tpu.memref_squeeze %dma_wait3A_108 : memref<1x400xi32, #tpu.memory_space<vmem>> -> memref<400xi32, #tpu.memory_space<vmem>>
      %dma_wait3A_110 = arith.constant 0 : i32
      %dma_wait3A_111 = arith.constant 0 : i32
      %dma_wait3A_112 = tpu.memref_slice %arg9[%dma_wait3A_110, %dma_wait3A_111] : memref<100352x16xf32, #tpu.memory_space<vmem_shared>> -> memref<100352x16xf32, #tpu.memory_space<vmem_shared>>
      tpu.wait_indirect_dma semaphore(%arg12 : memref<!tpu.dma_semaphore, #tpu.memory_space<semaphore_mem>>) src(%dma_wait3A_106 : memref<400x16xf32, #tpu.memory_space<vmem>>) dst(%dma_wait3A_112 : memref<100352x16xf32, #tpu.memory_space<vmem_shared>>)
      %barrier3A_113 = arith.constant 0 : index
      tpu.barrier barrier_id(%barrier3A_113)
      %scan3A_114 = arith.constant 0 : i32
      %scan3A_115 = arith.constant 49 : i32
      %scan3A_116 = arith.addi %scan3A_114, %scan3A_115 : i32
      %scan3A_117 = arith.constant 1 : i32
      scf.for %scan3A_120 = %scan3A_114 to %scan3A_116 step %scan3A_117  : i32 {
        %mul3A_121 = arith.constant 1 : i32
        %mul3A_122 = arith.muli %scan3A_120, %mul3A_121 : i32
        %add3A_123 = arith.constant 0 : i32
        %add3A_124 = arith.addi %add3A_123, %mul3A_122 : i32
        %mul3A_125 = arith.constant 128 : i32
        %mul3A_126 = arith.muli %add3A_124, %mul3A_125 : i32
        %add3A_127 = arith.addi %mul3A_0, %mul3A_126 : i32
        %mul3A_128 = arith.constant 16 : i32
        %mul3A_129 = arith.muli %add3A_18, %mul3A_128 : i32
        "tpu.region"() ({
          %run_scoped3A = tpu.sem_alloc : memref<!tpu.dma_semaphore, #tpu.memory_space<semaphore_mem>>
          %dma_start3A_130 = tpu.memref_slice %arg4[%arg0, %add3A_127, %mul3A_129] : memref<2x100352x64xf32, #tpu.memory_space<hbm>> -> memref<1x128x16xf32, #tpu.memory_space<hbm>>
          %dma_start3A_131 = tpu.memref_squeeze %dma_start3A_130 : memref<1x128x16xf32, #tpu.memory_space<hbm>> -> memref<128x16xf32, #tpu.memory_space<hbm>>
          %dma_start3A_132 = arith.constant 0 : i32
          %dma_start3A_133 = tpu.memref_slice %arg9[%add3A_127, %dma_start3A_132] : memref<100352x16xf32, #tpu.memory_space<vmem_shared>> -> memref<128x16xf32, #tpu.memory_space<vmem_shared>>
          tpu.enqueue_dma source(%dma_start3A_133 : memref<128x16xf32, #tpu.memory_space<vmem_shared>>) target(%dma_start3A_131 : memref<128x16xf32, #tpu.memory_space<hbm>>) target_semaphore(%run_scoped3A : memref<!tpu.dma_semaphore, #tpu.memory_space<semaphore_mem>>)
          %dma_wait3A_134 = tpu.memref_slice %arg4[%arg0, %add3A_127, %mul3A_129] : memref<2x100352x64xf32, #tpu.memory_space<hbm>> -> memref<1x128x16xf32, #tpu.memory_space<hbm>>
          %dma_wait3A_135 = tpu.memref_squeeze %dma_wait3A_134 : memref<1x128x16xf32, #tpu.memory_space<hbm>> -> memref<128x16xf32, #tpu.memory_space<hbm>>
          %dma_wait3A_136 = arith.constant 0 : i32
          %dma_wait3A_137 = tpu.memref_slice %arg9[%add3A_127, %dma_wait3A_136] : memref<100352x16xf32, #tpu.memory_space<vmem_shared>> -> memref<128x16xf32, #tpu.memory_space<vmem_shared>>
          tpu.wait_dma2 semaphore(%run_scoped3A : memref<!tpu.dma_semaphore, #tpu.memory_space<semaphore_mem>>) src(%dma_wait3A_137 : memref<128x16xf32, #tpu.memory_space<vmem_shared>>) dst(%dma_wait3A_135 : memref<128x16xf32, #tpu.memory_space<hbm>>)
          tpu.yield
        }) : () -> ()
      }
      %scan3A_118 = arith.constant 49 : i32
      %barrier3A_119 = arith.constant 0 : index
      tpu.barrier barrier_id(%barrier3A_119)
    }
    %scan3A_13 = arith.constant 4 : i32
    return
  }
}

#map = affine_map<(d0, d1) -> (0, 0)>
#map1 = affine_map<(d0, d1) -> (0, 0, 0)>
module attributes {stable_mosaic.version = 14 : i64} {
  func.func @k(%arg0: i32, %arg1: i32, %arg2: memref<100352x8xf32, #tpu.memory_space<hbm>>, %arg3: memref<2x6400000xi32, #tpu.memory_space<hbm>>, %arg4: memref<2x100352x8xf32, #tpu.memory_space<hbm>>, %arg5: memref<4x2000xi32, #tpu.memory_space<vmem>>, %arg6: memref<4x2000xi32, #tpu.memory_space<vmem>>, %arg7: memref<3x2000x8xf32, #tpu.memory_space<vmem>>, %arg8: memref<128x8xf32, #tpu.memory_space<vmem>>, %arg9: memref<100352x8xf32, #tpu.memory_space<vmem_shared>>, %arg10: memref<!tpu.dma_semaphore, #tpu.memory_space<semaphore_mem>>, %arg11: memref<!tpu.dma_semaphore, #tpu.memory_space<semaphore_mem>>, %arg12: memref<!tpu.dma_semaphore, #tpu.memory_space<semaphore_mem>>) attributes {dimension_semantics = [#tpu.dimension_semantics<core_parallel>, #tpu.dimension_semantics<subcore_parallel>], iteration_bounds = array<i64: 2, 16>, scalar_prefetch = 0 : i64, scratch_operands = 8 : i64, tpu.core_type = #tpu.core_type<sc_vector_subcore>, window_params = [{transform_indices = #map}, {transform_indices = #map}, {transform_indices = #map1}]} {
    %mul3A = arith.constant 6272 : i32
    %mul3A_0 = arith.muli %arg1, %mul3A : i32
    %mul3A_1 = arith.constant 3200000 : i32
    %mul3A_2 = arith.muli %arg0, %mul3A_1 : i32
    %mul3A_3 = arith.constant 200000 : i32
    %mul3A_4 = arith.muli %arg1, %mul3A_3 : i32
    %add3A = arith.addi %mul3A_2, %mul3A_4 : i32
    %scan3A = arith.constant 0 : i32
    %scan3A_5 = arith.constant 64 : i32
    %scan3A_6 = arith.addi %scan3A, %scan3A_5 : i32
    %scan3A_7 = arith.constant 1 : i32
    scf.for %scan3A_109 = %scan3A to %scan3A_6 step %scan3A_7  : i32 {
      %mul3A_110 = arith.constant 1 : i32
      %mul3A_111 = arith.muli %scan3A_109, %mul3A_110 : i32
      %add3A_112 = arith.constant 0 : i32
      %add3A_113 = arith.addi %add3A_112, %mul3A_111 : i32
      %broadcast_in_dim3A = arith.constant 0.000000e+00 : f32
      %broadcast_in_dim3A_114 = vector.broadcast %broadcast_in_dim3A : f32 to vector<2x8xf32>
      %mul3A_115 = arith.constant 2 : i32
      %mul3A_116 = arith.muli %add3A_113, %mul3A_115 : i32
      %swap3A = arith.index_cast %mul3A_116 : i32 to index
      %swap3A_117 = arith.constant 0 : index
      %swap3A_118 = tpu.vector_load %arg8[%swap3A, %swap3A_117] {strides = array<i32>} : memref<128x8xf32, #tpu.memory_space<vmem>>, vector<2x8xf32>,
      %swap3A_119 = vector.shape_cast %swap3A_118 : vector<2x8xf32> to vector<2x8xf32>
      %swap3A_120 = vector.shape_cast %broadcast_in_dim3A_114 : vector<2x8xf32> to vector<2x8xf32>
      tpu.vector_store %arg8[%swap3A, %swap3A_117], %swap3A_120 {strides = array<i32>} : memref<128x8xf32, #tpu.memory_space<vmem>>, vector<2x8xf32>,
    }
    %scan3A_8 = arith.constant 64 : i32
    %scan3A_9 = arith.constant 0 : i32
    %scan3A_10 = arith.constant 49 : i32
    %scan3A_11 = arith.addi %scan3A_9, %scan3A_10 : i32
    %scan3A_12 = arith.constant 1 : i32
    scf.for %scan3A_109 = %scan3A_9 to %scan3A_11 step %scan3A_12  : i32 {
      %mul3A_110 = arith.constant 1 : i32
      %mul3A_111 = arith.muli %scan3A_109, %mul3A_110 : i32
      %add3A_112 = arith.constant 0 : i32
      %add3A_113 = arith.addi %add3A_112, %mul3A_111 : i32
      %mul3A_114 = arith.constant 128 : i32
      %mul3A_115 = arith.muli %add3A_113, %mul3A_114 : i32
      %add3A_116 = arith.addi %mul3A_0, %mul3A_115 : i32
      "tpu.region"() ({
        %run_scoped3A = tpu.sem_alloc : memref<!tpu.dma_semaphore, #tpu.memory_space<semaphore_mem>>
        %dma_start3A_117 = arith.constant 0 : i32
        %dma_start3A_118 = tpu.memref_slice %arg9[%add3A_116, %dma_start3A_117] : memref<100352x8xf32, #tpu.memory_space<vmem_shared>> -> memref<128x8xf32, #tpu.memory_space<vmem_shared>>
        %dma_start3A_119 = arith.constant 0 : i32
        %dma_start3A_120 = tpu.memref_slice %arg9[%add3A_116, %dma_start3A_119] : memref<100352x8xf32, #tpu.memory_space<vmem_shared>> -> memref<128x8xf32, #tpu.memory_space<vmem_shared>>
        tpu.enqueue_dma source(%arg8 : memref<128x8xf32, #tpu.memory_space<vmem>>) target(%dma_start3A_120 : memref<128x8xf32, #tpu.memory_space<vmem_shared>>) target_semaphore(%run_scoped3A : memref<!tpu.dma_semaphore, #tpu.memory_space<semaphore_mem>>)
        %dma_wait3A_121 = arith.constant 0 : i32
        %dma_wait3A_122 = tpu.memref_slice %arg9[%add3A_116, %dma_wait3A_121] : memref<100352x8xf32, #tpu.memory_space<vmem_shared>> -> memref<128x8xf32, #tpu.memory_space<vmem_shared>>
        %dma_wait3A_123 = arith.constant 0 : i32
        %dma_wait3A_124 = tpu.memref_slice %arg9[%add3A_116, %dma_wait3A_123] : memref<100352x8xf32, #tpu.memory_space<vmem_shared>> -> memref<128x8xf32, #tpu.memory_space<vmem_shared>>
        tpu.wait_dma2 semaphore(%run_scoped3A : memref<!tpu.dma_semaphore, #tpu.memory_space<semaphore_mem>>) src(%arg8 : memref<128x8xf32, #tpu.memory_space<vmem>>) dst(%dma_wait3A_124 : memref<128x8xf32, #tpu.memory_space<vmem_shared>>)
        tpu.yield
      }) : () -> ()
    }
    %scan3A_13 = arith.constant 49 : i32
    %barrier3A = arith.constant 0 : index
    tpu.barrier barrier_id(%barrier3A)
    %add3A_14 = arith.constant 0 : i32
    %add3A_15 = arith.addi %add3A, %add3A_14 : i32
    %dma_start3A = arith.constant 0 : i32
    %dma_start3A_16 = arith.constant 0 : i32
    %dma_start3A_17 = arith.constant 0 : i32
    %dma_start3A_18 = tpu.memref_slice %arg5[%dma_start3A_16, %dma_start3A_17] : memref<4x2000xi32, #tpu.memory_space<vmem>> -> memref<1x2000xi32, #tpu.memory_space<vmem>>
    %dma_start3A_19 = tpu.memref_squeeze %dma_start3A_18 : memref<1x2000xi32, #tpu.memory_space<vmem>> -> memref<2000xi32, #tpu.memory_space<vmem>>
    %dma_start3A_20 = tpu.memref_slice %arg3[%dma_start3A, %add3A_15] : memref<2x6400000xi32, #tpu.memory_space<hbm>> -> memref<1x2000xi32, #tpu.memory_space<hbm>>
    %dma_start3A_21 = tpu.memref_squeeze %dma_start3A_20 : memref<1x2000xi32, #tpu.memory_space<hbm>> -> memref<2000xi32, #tpu.memory_space<hbm>>
    %dma_start3A_22 = arith.constant 0 : i32
    %dma_start3A_23 = tpu.memref_slice %arg5[%dma_start3A_16, %dma_start3A_22] : memref<4x2000xi32, #tpu.memory_space<vmem>> -> memref<1x2000xi32, #tpu.memory_space<vmem>>
    %dma_start3A_24 = tpu.memref_squeeze %dma_start3A_23 : memref<1x2000xi32, #tpu.memory_space<vmem>> -> memref<2000xi32, #tpu.memory_space<vmem>>
    %dma_start3A_25 = tpu.memref_slice %arg3[%dma_start3A, %add3A_15] : memref<2x6400000xi32, #tpu.memory_space<hbm>> -> memref<1x2000xi32, #tpu.memory_space<hbm>>
    %dma_start3A_26 = tpu.memref_squeeze %dma_start3A_25 : memref<1x2000xi32, #tpu.memory_space<hbm>> -> memref<2000xi32, #tpu.memory_space<hbm>>
    tpu.enqueue_dma source(%dma_start3A_26 : memref<2000xi32, #tpu.memory_space<hbm>>) target(%dma_start3A_24 : memref<2000xi32, #tpu.memory_space<vmem>>) target_semaphore(%arg10 : memref<!tpu.dma_semaphore, #tpu.memory_space<semaphore_mem>>)
    %dma_start3A_27 = arith.constant 1 : i32
    %dma_start3A_28 = arith.constant 0 : i32
    %dma_start3A_29 = arith.constant 0 : i32
    %dma_start3A_30 = tpu.memref_slice %arg6[%dma_start3A_28, %dma_start3A_29] : memref<4x2000xi32, #tpu.memory_space<vmem>> -> memref<1x2000xi32, #tpu.memory_space<vmem>>
    %dma_start3A_31 = tpu.memref_squeeze %dma_start3A_30 : memref<1x2000xi32, #tpu.memory_space<vmem>> -> memref<2000xi32, #tpu.memory_space<vmem>>
    %dma_start3A_32 = tpu.memref_slice %arg3[%dma_start3A_27, %add3A_15] : memref<2x6400000xi32, #tpu.memory_space<hbm>> -> memref<1x2000xi32, #tpu.memory_space<hbm>>
    %dma_start3A_33 = tpu.memref_squeeze %dma_start3A_32 : memref<1x2000xi32, #tpu.memory_space<hbm>> -> memref<2000xi32, #tpu.memory_space<hbm>>
    %dma_start3A_34 = arith.constant 0 : i32
    %dma_start3A_35 = tpu.memref_slice %arg6[%dma_start3A_28, %dma_start3A_34] : memref<4x2000xi32, #tpu.memory_space<vmem>> -> memref<1x2000xi32, #tpu.memory_space<vmem>>
    %dma_start3A_36 = tpu.memref_squeeze %dma_start3A_35 : memref<1x2000xi32, #tpu.memory_space<vmem>> -> memref<2000xi32, #tpu.memory_space<vmem>>
    %dma_start3A_37 = tpu.memref_slice %arg3[%dma_start3A_27, %add3A_15] : memref<2x6400000xi32, #tpu.memory_space<hbm>> -> memref<1x2000xi32, #tpu.memory_space<hbm>>
    %dma_start3A_38 = tpu.memref_squeeze %dma_start3A_37 : memref<1x2000xi32, #tpu.memory_space<hbm>> -> memref<2000xi32, #tpu.memory_space<hbm>>
    tpu.enqueue_dma source(%dma_start3A_38 : memref<2000xi32, #tpu.memory_space<hbm>>) target(%dma_start3A_36 : memref<2000xi32, #tpu.memory_space<vmem>>) target_semaphore(%arg10 : memref<!tpu.dma_semaphore, #tpu.memory_space<semaphore_mem>>)
    %scan3A_39 = arith.constant 0 : i32
    %scan3A_40 = arith.constant 100 : i32
    %scan3A_41 = arith.addi %scan3A_39, %scan3A_40 : i32
    %scan3A_42 = arith.constant 1 : i32
    scf.for %scan3A_109 = %scan3A_39 to %scan3A_41 step %scan3A_42  : i32 {
      %mul3A_110 = arith.constant 1 : i32
      %mul3A_111 = arith.muli %scan3A_109, %mul3A_110 : i32
      %add3A_112 = arith.constant 0 : i32
      %add3A_113 = arith.addi %add3A_112, %mul3A_111 : i32
      %rem3A = arith.constant 4 : i32
      %rem3A_114 = arith.remsi %add3A_113, %rem3A : i32
      %rem3A_115 = arith.constant 3 : i32
      %rem3A_116 = arith.remsi %add3A_113, %rem3A_115 : i32
      %add3A_117 = arith.constant 3 : i32
      %add3A_118 = arith.addi %add3A_113, %add3A_117 : i32
      %rem3A_119 = arith.constant 4 : i32
      %rem3A_120 = arith.remsi %add3A_118, %rem3A_119 : i32
      %add3A_121 = arith.constant 2 : i32
      %add3A_122 = arith.addi %add3A_113, %add3A_121 : i32
      %rem3A_123 = arith.constant 3 : i32
      %rem3A_124 = arith.remsi %add3A_122, %rem3A_123 : i32
      %mul3A_125 = arith.constant 2000 : i32
      %mul3A_126 = arith.muli %add3A_113, %mul3A_125 : i32
      %add3A_127 = arith.addi %add3A, %mul3A_126 : i32
      %dma_wait3A_128 = arith.constant 0 : i32
      %dma_wait3A_129 = arith.constant 0 : i32
      %dma_wait3A_130 = tpu.memref_slice %arg5[%rem3A_114, %dma_wait3A_129] : memref<4x2000xi32, #tpu.memory_space<vmem>> -> memref<1x2000xi32, #tpu.memory_space<vmem>>
      %dma_wait3A_131 = tpu.memref_squeeze %dma_wait3A_130 : memref<1x2000xi32, #tpu.memory_space<vmem>> -> memref<2000xi32, #tpu.memory_space<vmem>>
      %dma_wait3A_132 = tpu.memref_slice %arg3[%dma_wait3A_128, %add3A_127] : memref<2x6400000xi32, #tpu.memory_space<hbm>> -> memref<1x2000xi32, #tpu.memory_space<hbm>>
      %dma_wait3A_133 = tpu.memref_squeeze %dma_wait3A_132 : memref<1x2000xi32, #tpu.memory_space<hbm>> -> memref<2000xi32, #tpu.memory_space<hbm>>
      %dma_wait3A_134 = arith.constant 0 : i32
      %dma_wait3A_135 = tpu.memref_slice %arg5[%rem3A_114, %dma_wait3A_134] : memref<4x2000xi32, #tpu.memory_space<vmem>> -> memref<1x2000xi32, #tpu.memory_space<vmem>>
      %dma_wait3A_136 = tpu.memref_squeeze %dma_wait3A_135 : memref<1x2000xi32, #tpu.memory_space<vmem>> -> memref<2000xi32, #tpu.memory_space<vmem>>
      %dma_wait3A_137 = tpu.memref_slice %arg3[%dma_wait3A_128, %add3A_127] : memref<2x6400000xi32, #tpu.memory_space<hbm>> -> memref<1x2000xi32, #tpu.memory_space<hbm>>
      %dma_wait3A_138 = tpu.memref_squeeze %dma_wait3A_137 : memref<1x2000xi32, #tpu.memory_space<hbm>> -> memref<2000xi32, #tpu.memory_space<hbm>>
      tpu.wait_dma2 semaphore(%arg10 : memref<!tpu.dma_semaphore, #tpu.memory_space<semaphore_mem>>) src(%dma_wait3A_138 : memref<2000xi32, #tpu.memory_space<hbm>>) dst(%dma_wait3A_136 : memref<2000xi32, #tpu.memory_space<vmem>>)
      %dma_wait3A_139 = arith.constant 1 : i32
      %dma_wait3A_140 = arith.constant 0 : i32
      %dma_wait3A_141 = tpu.memref_slice %arg6[%rem3A_114, %dma_wait3A_140] : memref<4x2000xi32, #tpu.memory_space<vmem>> -> memref<1x2000xi32, #tpu.memory_space<vmem>>
      %dma_wait3A_142 = tpu.memref_squeeze %dma_wait3A_141 : memref<1x2000xi32, #tpu.memory_space<vmem>> -> memref<2000xi32, #tpu.memory_space<vmem>>
      %dma_wait3A_143 = tpu.memref_slice %arg3[%dma_wait3A_139, %add3A_127] : memref<2x6400000xi32, #tpu.memory_space<hbm>> -> memref<1x2000xi32, #tpu.memory_space<hbm>>
      %dma_wait3A_144 = tpu.memref_squeeze %dma_wait3A_143 : memref<1x2000xi32, #tpu.memory_space<hbm>> -> memref<2000xi32, #tpu.memory_space<hbm>>
      %dma_wait3A_145 = arith.constant 0 : i32
      %dma_wait3A_146 = tpu.memref_slice %arg6[%rem3A_114, %dma_wait3A_145] : memref<4x2000xi32, #tpu.memory_space<vmem>> -> memref<1x2000xi32, #tpu.memory_space<vmem>>
      %dma_wait3A_147 = tpu.memref_squeeze %dma_wait3A_146 : memref<1x2000xi32, #tpu.memory_space<vmem>> -> memref<2000xi32, #tpu.memory_space<vmem>>
      %dma_wait3A_148 = tpu.memref_slice %arg3[%dma_wait3A_139, %add3A_127] : memref<2x6400000xi32, #tpu.memory_space<hbm>> -> memref<1x2000xi32, #tpu.memory_space<hbm>>
      %dma_wait3A_149 = tpu.memref_squeeze %dma_wait3A_148 : memref<1x2000xi32, #tpu.memory_space<hbm>> -> memref<2000xi32, #tpu.memory_space<hbm>>
      tpu.wait_dma2 semaphore(%arg10 : memref<!tpu.dma_semaphore, #tpu.memory_space<semaphore_mem>>) src(%dma_wait3A_149 : memref<2000xi32, #tpu.memory_space<hbm>>) dst(%dma_wait3A_147 : memref<2000xi32, #tpu.memory_space<vmem>>)
      %ge3A = arith.constant 3 : i32
      %ge3A_150 = arith.cmpi sge, %add3A_113, %ge3A : i32
      %convert_element_type3A = arith.extui %ge3A_150 : i1 to i32
      %cond3A = arith.constant 0 : i32
      %cond3A_151 = arith.cmpi ne, %convert_element_type3A, %cond3A : i32
      scf.if %cond3A_151 {
        %add3A_173 = arith.constant 1 : i32
        %add3A_174 = arith.addi %add3A_113, %add3A_173 : i32
        %rem3A_175 = arith.constant 4 : i32
        %rem3A_176 = arith.remsi %add3A_174, %rem3A_175 : i32
        %dma_wait3A_177 = arith.constant 0 : i32
        %dma_wait3A_178 = arith.constant 0 : i32
        %dma_wait3A_179 = tpu.memref_slice %arg7[%rem3A_116, %dma_wait3A_177, %dma_wait3A_178] : memref<3x2000x8xf32, #tpu.memory_space<vmem>> -> memref<1x2000x8xf32, #tpu.memory_space<vmem>>
        %dma_wait3A_180 = tpu.memref_squeeze %dma_wait3A_179 : memref<1x2000x8xf32, #tpu.memory_space<vmem>> -> memref<2000x8xf32, #tpu.memory_space<vmem>>
        %dma_wait3A_181 = arith.constant 0 : i32
        %dma_wait3A_182 = tpu.memref_slice %arg6[%rem3A_176, %dma_wait3A_181] : memref<4x2000xi32, #tpu.memory_space<vmem>> -> memref<1x2000xi32, #tpu.memory_space<vmem>>
        %dma_wait3A_183 = tpu.memref_squeeze %dma_wait3A_182 : memref<1x2000xi32, #tpu.memory_space<vmem>> -> memref<2000xi32, #tpu.memory_space<vmem>>
        %dma_wait3A_184 = arith.constant 0 : i32
        %dma_wait3A_185 = arith.constant 0 : i32
        %dma_wait3A_186 = tpu.memref_slice %arg9[%dma_wait3A_184, %dma_wait3A_185] : memref<100352x8xf32, #tpu.memory_space<vmem_shared>> -> memref<100352x8xf32, #tpu.memory_space<vmem_shared>>
        tpu.wait_indirect_dma semaphore(%arg12 : memref<!tpu.dma_semaphore, #tpu.memory_space<semaphore_mem>>) src(%dma_wait3A_180 : memref<2000x8xf32, #tpu.memory_space<vmem>>) dst(%dma_wait3A_186 : memref<100352x8xf32, #tpu.memory_space<vmem_shared>>)
      } else {
      }
      %dma_start3A_152 = arith.constant 0 : i32
      %dma_start3A_153 = arith.constant 0 : i32
      %dma_start3A_154 = tpu.memref_slice %arg7[%rem3A_116, %dma_start3A_152, %dma_start3A_153] : memref<3x2000x8xf32, #tpu.memory_space<vmem>> -> memref<1x2000x8xf32, #tpu.memory_space<vmem>>
      %dma_start3A_155 = tpu.memref_squeeze %dma_start3A_154 : memref<1x2000x8xf32, #tpu.memory_space<vmem>> -> memref<2000x8xf32, #tpu.memory_space<vmem>>
      %dma_start3A_156 = arith.constant 0 : i32
      %dma_start3A_157 = tpu.memref_slice %arg5[%rem3A_114, %dma_start3A_156] : memref<4x2000xi32, #tpu.memory_space<vmem>> -> memref<1x2000xi32, #tpu.memory_space<vmem>>
      %dma_start3A_158 = tpu.memref_squeeze %dma_start3A_157 : memref<1x2000xi32, #tpu.memory_space<vmem>> -> memref<2000xi32, #tpu.memory_space<vmem>>
      %dma_start3A_159 = arith.constant 0 : i32
      %dma_start3A_160 = arith.constant 0 : i32
      %dma_start3A_161 = tpu.memref_slice %arg2[%dma_start3A_159, %dma_start3A_160] : memref<100352x8xf32, #tpu.memory_space<hbm>> -> memref<100352x8xf32, #tpu.memory_space<hbm>>
      tpu.enqueue_indirect_dma source(%dma_start3A_161 : memref<100352x8xf32, #tpu.memory_space<hbm>>) target(%dma_start3A_155 : memref<2000x8xf32, #tpu.memory_space<vmem>>) offsets(%dma_start3A_158 : memref<2000xi32, #tpu.memory_space<vmem>>) semaphore(%arg11 : memref<!tpu.dma_semaphore, #tpu.memory_space<semaphore_mem>>)
      %add3A_162 = arith.constant 1 : i32
      %add3A_163 = arith.addi %add3A_113, %add3A_162 : i32
      %lt3A = arith.constant 100 : i32
      %lt3A_164 = arith.cmpi slt, %add3A_163, %lt3A : i32
      %convert_element_type3A_165 = arith.extui %lt3A_164 : i1 to i32
      %cond3A_166 = arith.constant 0 : i32
      %cond3A_167 = arith.cmpi ne, %convert_element_type3A_165, %cond3A_166 : i32
      scf.if %cond3A_167 {
        %add3A_173 = arith.constant 1 : i32
        %add3A_174 = arith.addi %add3A_113, %add3A_173 : i32
        %add3A_175 = arith.constant 1 : i32
        %add3A_176 = arith.addi %add3A_113, %add3A_175 : i32
        %rem3A_177 = arith.constant 4 : i32
        %rem3A_178 = arith.remsi %add3A_176, %rem3A_177 : i32
        %mul3A_179 = arith.constant 2000 : i32
        %mul3A_180 = arith.muli %add3A_174, %mul3A_179 : i32
        %add3A_181 = arith.addi %add3A, %mul3A_180 : i32
        %dma_start3A_182 = arith.constant 0 : i32
        %dma_start3A_183 = arith.constant 0 : i32
        %dma_start3A_184 = tpu.memref_slice %arg5[%rem3A_178, %dma_start3A_183] : memref<4x2000xi32, #tpu.memory_space<vmem>> -> memref<1x2000xi32, #tpu.memory_space<vmem>>
        %dma_start3A_185 = tpu.memref_squeeze %dma_start3A_184 : memref<1x2000xi32, #tpu.memory_space<vmem>> -> memref<2000xi32, #tpu.memory_space<vmem>>
        %dma_start3A_186 = tpu.memref_slice %arg3[%dma_start3A_182, %add3A_181] : memref<2x6400000xi32, #tpu.memory_space<hbm>> -> memref<1x2000xi32, #tpu.memory_space<hbm>>
        %dma_start3A_187 = tpu.memref_squeeze %dma_start3A_186 : memref<1x2000xi32, #tpu.memory_space<hbm>> -> memref<2000xi32, #tpu.memory_space<hbm>>
        %dma_start3A_188 = arith.constant 0 : i32
        %dma_start3A_189 = tpu.memref_slice %arg5[%rem3A_178, %dma_start3A_188] : memref<4x2000xi32, #tpu.memory_space<vmem>> -> memref<1x2000xi32, #tpu.memory_space<vmem>>
        %dma_start3A_190 = tpu.memref_squeeze %dma_start3A_189 : memref<1x2000xi32, #tpu.memory_space<vmem>> -> memref<2000xi32, #tpu.memory_space<vmem>>
        %dma_start3A_191 = tpu.memref_slice %arg3[%dma_start3A_182, %add3A_181] : memref<2x6400000xi32, #tpu.memory_space<hbm>> -> memref<1x2000xi32, #tpu.memory_space<hbm>>
        %dma_start3A_192 = tpu.memref_squeeze %dma_start3A_191 : memref<1x2000xi32, #tpu.memory_space<hbm>> -> memref<2000xi32, #tpu.memory_space<hbm>>
        tpu.enqueue_dma source(%dma_start3A_192 : memref<2000xi32, #tpu.memory_space<hbm>>) target(%dma_start3A_190 : memref<2000xi32, #tpu.memory_space<vmem>>) target_semaphore(%arg10 : memref<!tpu.dma_semaphore, #tpu.memory_space<semaphore_mem>>)
        %dma_start3A_193 = arith.constant 1 : i32
        %dma_start3A_194 = arith.constant 0 : i32
        %dma_start3A_195 = tpu.memref_slice %arg6[%rem3A_178, %dma_start3A_194] : memref<4x2000xi32, #tpu.memory_space<vmem>> -> memref<1x2000xi32, #tpu.memory_space<vmem>>
        %dma_start3A_196 = tpu.memref_squeeze %dma_start3A_195 : memref<1x2000xi32, #tpu.memory_space<vmem>> -> memref<2000xi32, #tpu.memory_space<vmem>>
        %dma_start3A_197 = tpu.memref_slice %arg3[%dma_start3A_193, %add3A_181] : memref<2x6400000xi32, #tpu.memory_space<hbm>> -> memref<1x2000xi32, #tpu.memory_space<hbm>>
        %dma_start3A_198 = tpu.memref_squeeze %dma_start3A_197 : memref<1x2000xi32, #tpu.memory_space<hbm>> -> memref<2000xi32, #tpu.memory_space<hbm>>
        %dma_start3A_199 = arith.constant 0 : i32
        %dma_start3A_200 = tpu.memref_slice %arg6[%rem3A_178, %dma_start3A_199] : memref<4x2000xi32, #tpu.memory_space<vmem>> -> memref<1x2000xi32, #tpu.memory_space<vmem>>
        %dma_start3A_201 = tpu.memref_squeeze %dma_start3A_200 : memref<1x2000xi32, #tpu.memory_space<vmem>> -> memref<2000xi32, #tpu.memory_space<vmem>>
        %dma_start3A_202 = tpu.memref_slice %arg3[%dma_start3A_193, %add3A_181] : memref<2x6400000xi32, #tpu.memory_space<hbm>> -> memref<1x2000xi32, #tpu.memory_space<hbm>>
        %dma_start3A_203 = tpu.memref_squeeze %dma_start3A_202 : memref<1x2000xi32, #tpu.memory_space<hbm>> -> memref<2000xi32, #tpu.memory_space<hbm>>
        tpu.enqueue_dma source(%dma_start3A_203 : memref<2000xi32, #tpu.memory_space<hbm>>) target(%dma_start3A_201 : memref<2000xi32, #tpu.memory_space<vmem>>) target_semaphore(%arg10 : memref<!tpu.dma_semaphore, #tpu.memory_space<semaphore_mem>>)
      } else {
      }
      %ge3A_168 = arith.constant 1 : i32
      %ge3A_169 = arith.cmpi sge, %add3A_113, %ge3A_168 : i32
      %convert_element_type3A_170 = arith.extui %ge3A_169 : i1 to i32
      %cond3A_171 = arith.constant 0 : i32
      %cond3A_172 = arith.cmpi ne, %convert_element_type3A_170, %cond3A_171 : i32
      scf.if %cond3A_172 {
        %dma_wait3A_173 = arith.constant 0 : i32
        %dma_wait3A_174 = arith.constant 0 : i32
        %dma_wait3A_175 = tpu.memref_slice %arg7[%rem3A_124, %dma_wait3A_173, %dma_wait3A_174] : memref<3x2000x8xf32, #tpu.memory_space<vmem>> -> memref<1x2000x8xf32, #tpu.memory_space<vmem>>
        %dma_wait3A_176 = tpu.memref_squeeze %dma_wait3A_175 : memref<1x2000x8xf32, #tpu.memory_space<vmem>> -> memref<2000x8xf32, #tpu.memory_space<vmem>>
        %dma_wait3A_177 = arith.constant 0 : i32
        %dma_wait3A_178 = tpu.memref_slice %arg5[%rem3A_120, %dma_wait3A_177] : memref<4x2000xi32, #tpu.memory_space<vmem>> -> memref<1x2000xi32, #tpu.memory_space<vmem>>
        %dma_wait3A_179 = tpu.memref_squeeze %dma_wait3A_178 : memref<1x2000xi32, #tpu.memory_space<vmem>> -> memref<2000xi32, #tpu.memory_space<vmem>>
        %dma_wait3A_180 = arith.constant 0 : i32
        %dma_wait3A_181 = arith.constant 0 : i32
        %dma_wait3A_182 = tpu.memref_slice %arg2[%dma_wait3A_180, %dma_wait3A_181] : memref<100352x8xf32, #tpu.memory_space<hbm>> -> memref<100352x8xf32, #tpu.memory_space<hbm>>
        tpu.wait_indirect_dma semaphore(%arg11 : memref<!tpu.dma_semaphore, #tpu.memory_space<semaphore_mem>>) src(%dma_wait3A_182 : memref<100352x8xf32, #tpu.memory_space<hbm>>) dst(%dma_wait3A_176 : memref<2000x8xf32, #tpu.memory_space<vmem>>)
        %dma_start3A_183 = arith.constant 0 : i32
        %dma_start3A_184 = arith.constant 0 : i32
        %dma_start3A_185 = tpu.memref_slice %arg7[%rem3A_124, %dma_start3A_183, %dma_start3A_184] : memref<3x2000x8xf32, #tpu.memory_space<vmem>> -> memref<1x2000x8xf32, #tpu.memory_space<vmem>>
        %dma_start3A_186 = tpu.memref_squeeze %dma_start3A_185 : memref<1x2000x8xf32, #tpu.memory_space<vmem>> -> memref<2000x8xf32, #tpu.memory_space<vmem>>
        %dma_start3A_187 = arith.constant 0 : i32
        %dma_start3A_188 = tpu.memref_slice %arg6[%rem3A_120, %dma_start3A_187] : memref<4x2000xi32, #tpu.memory_space<vmem>> -> memref<1x2000xi32, #tpu.memory_space<vmem>>
        %dma_start3A_189 = tpu.memref_squeeze %dma_start3A_188 : memref<1x2000xi32, #tpu.memory_space<vmem>> -> memref<2000xi32, #tpu.memory_space<vmem>>
        %dma_start3A_190 = arith.constant 0 : i32
        %dma_start3A_191 = arith.constant 0 : i32
        %dma_start3A_192 = tpu.memref_slice %arg9[%dma_start3A_190, %dma_start3A_191] : memref<100352x8xf32, #tpu.memory_space<vmem_shared>> -> memref<100352x8xf32, #tpu.memory_space<vmem_shared>>
        tpu.enqueue_indirect_dma source(%dma_start3A_186 : memref<2000x8xf32, #tpu.memory_space<vmem>>) target(%dma_start3A_192 : memref<100352x8xf32, #tpu.memory_space<vmem_shared>>) offsets(%dma_start3A_189 : memref<2000xi32, #tpu.memory_space<vmem>>) semaphore(%arg12 : memref<!tpu.dma_semaphore, #tpu.memory_space<semaphore_mem>>) {add = true}
      } else {
      }
    }
    %scan3A_43 = arith.constant 100 : i32
    %dma_wait3A = arith.constant 3 : i32
    %dma_wait3A_44 = arith.constant 0 : i32
    %dma_wait3A_45 = arith.constant 0 : i32
    %dma_wait3A_46 = arith.constant 0 : i32
    %dma_wait3A_47 = tpu.memref_slice %arg7[%dma_wait3A_44, %dma_wait3A_45, %dma_wait3A_46] : memref<3x2000x8xf32, #tpu.memory_space<vmem>> -> memref<1x2000x8xf32, #tpu.memory_space<vmem>>
    %dma_wait3A_48 = tpu.memref_squeeze %dma_wait3A_47 : memref<1x2000x8xf32, #tpu.memory_space<vmem>> -> memref<2000x8xf32, #tpu.memory_space<vmem>>
    %dma_wait3A_49 = arith.constant 0 : i32
    %dma_wait3A_50 = tpu.memref_slice %arg5[%dma_wait3A, %dma_wait3A_49] : memref<4x2000xi32, #tpu.memory_space<vmem>> -> memref<1x2000xi32, #tpu.memory_space<vmem>>
    %dma_wait3A_51 = tpu.memref_squeeze %dma_wait3A_50 : memref<1x2000xi32, #tpu.memory_space<vmem>> -> memref<2000xi32, #tpu.memory_space<vmem>>
    %dma_wait3A_52 = arith.constant 0 : i32
    %dma_wait3A_53 = arith.constant 0 : i32
    %dma_wait3A_54 = tpu.memref_slice %arg2[%dma_wait3A_52, %dma_wait3A_53] : memref<100352x8xf32, #tpu.memory_space<hbm>> -> memref<100352x8xf32, #tpu.memory_space<hbm>>
    tpu.wait_indirect_dma semaphore(%arg11 : memref<!tpu.dma_semaphore, #tpu.memory_space<semaphore_mem>>) src(%dma_wait3A_54 : memref<100352x8xf32, #tpu.memory_space<hbm>>) dst(%dma_wait3A_48 : memref<2000x8xf32, #tpu.memory_space<vmem>>)
    %dma_start3A_55 = arith.constant 0 : i32
    %dma_start3A_56 = arith.constant 3 : i32
    %dma_start3A_57 = arith.constant 0 : i32
    %dma_start3A_58 = arith.constant 0 : i32
    %dma_start3A_59 = tpu.memref_slice %arg7[%dma_start3A_55, %dma_start3A_57, %dma_start3A_58] : memref<3x2000x8xf32, #tpu.memory_space<vmem>> -> memref<1x2000x8xf32, #tpu.memory_space<vmem>>
    %dma_start3A_60 = tpu.memref_squeeze %dma_start3A_59 : memref<1x2000x8xf32, #tpu.memory_space<vmem>> -> memref<2000x8xf32, #tpu.memory_space<vmem>>
    %dma_start3A_61 = arith.constant 0 : i32
    %dma_start3A_62 = tpu.memref_slice %arg6[%dma_start3A_56, %dma_start3A_61] : memref<4x2000xi32, #tpu.memory_space<vmem>> -> memref<1x2000xi32, #tpu.memory_space<vmem>>
    %dma_start3A_63 = tpu.memref_squeeze %dma_start3A_62 : memref<1x2000xi32, #tpu.memory_space<vmem>> -> memref<2000xi32, #tpu.memory_space<vmem>>
    %dma_start3A_64 = arith.constant 0 : i32
    %dma_start3A_65 = arith.constant 0 : i32
    %dma_start3A_66 = tpu.memref_slice %arg9[%dma_start3A_64, %dma_start3A_65] : memref<100352x8xf32, #tpu.memory_space<vmem_shared>> -> memref<100352x8xf32, #tpu.memory_space<vmem_shared>>
    tpu.enqueue_indirect_dma source(%dma_start3A_60 : memref<2000x8xf32, #tpu.memory_space<vmem>>) target(%dma_start3A_66 : memref<100352x8xf32, #tpu.memory_space<vmem_shared>>) offsets(%dma_start3A_63 : memref<2000xi32, #tpu.memory_space<vmem>>) semaphore(%arg12 : memref<!tpu.dma_semaphore, #tpu.memory_space<semaphore_mem>>) {add = true}
    %dma_wait3A_67 = arith.constant 1 : i32
    %dma_wait3A_68 = arith.constant 1 : i32
    %dma_wait3A_69 = arith.constant 0 : i32
    %dma_wait3A_70 = arith.constant 0 : i32
    %dma_wait3A_71 = tpu.memref_slice %arg7[%dma_wait3A_67, %dma_wait3A_69, %dma_wait3A_70] : memref<3x2000x8xf32, #tpu.memory_space<vmem>> -> memref<1x2000x8xf32, #tpu.memory_space<vmem>>
    %dma_wait3A_72 = tpu.memref_squeeze %dma_wait3A_71 : memref<1x2000x8xf32, #tpu.memory_space<vmem>> -> memref<2000x8xf32, #tpu.memory_space<vmem>>
    %dma_wait3A_73 = arith.constant 0 : i32
    %dma_wait3A_74 = tpu.memref_slice %arg6[%dma_wait3A_68, %dma_wait3A_73] : memref<4x2000xi32, #tpu.memory_space<vmem>> -> memref<1x2000xi32, #tpu.memory_space<vmem>>
    %dma_wait3A_75 = tpu.memref_squeeze %dma_wait3A_74 : memref<1x2000xi32, #tpu.memory_space<vmem>> -> memref<2000xi32, #tpu.memory_space<vmem>>
    %dma_wait3A_76 = arith.constant 0 : i32
    %dma_wait3A_77 = arith.constant 0 : i32
    %dma_wait3A_78 = tpu.memref_slice %arg9[%dma_wait3A_76, %dma_wait3A_77] : memref<100352x8xf32, #tpu.memory_space<vmem_shared>> -> memref<100352x8xf32, #tpu.memory_space<vmem_shared>>
    tpu.wait_indirect_dma semaphore(%arg12 : memref<!tpu.dma_semaphore, #tpu.memory_space<semaphore_mem>>) src(%dma_wait3A_72 : memref<2000x8xf32, #tpu.memory_space<vmem>>) dst(%dma_wait3A_78 : memref<100352x8xf32, #tpu.memory_space<vmem_shared>>)
    %dma_wait3A_79 = arith.constant 2 : i32
    %dma_wait3A_80 = arith.constant 2 : i32
    %dma_wait3A_81 = arith.constant 0 : i32
    %dma_wait3A_82 = arith.constant 0 : i32
    %dma_wait3A_83 = tpu.memref_slice %arg7[%dma_wait3A_79, %dma_wait3A_81, %dma_wait3A_82] : memref<3x2000x8xf32, #tpu.memory_space<vmem>> -> memref<1x2000x8xf32, #tpu.memory_space<vmem>>
    %dma_wait3A_84 = tpu.memref_squeeze %dma_wait3A_83 : memref<1x2000x8xf32, #tpu.memory_space<vmem>> -> memref<2000x8xf32, #tpu.memory_space<vmem>>
    %dma_wait3A_85 = arith.constant 0 : i32
    %dma_wait3A_86 = tpu.memref_slice %arg6[%dma_wait3A_80, %dma_wait3A_85] : memref<4x2000xi32, #tpu.memory_space<vmem>> -> memref<1x2000xi32, #tpu.memory_space<vmem>>
    %dma_wait3A_87 = tpu.memref_squeeze %dma_wait3A_86 : memref<1x2000xi32, #tpu.memory_space<vmem>> -> memref<2000xi32, #tpu.memory_space<vmem>>
    %dma_wait3A_88 = arith.constant 0 : i32
    %dma_wait3A_89 = arith.constant 0 : i32
    %dma_wait3A_90 = tpu.memref_slice %arg9[%dma_wait3A_88, %dma_wait3A_89] : memref<100352x8xf32, #tpu.memory_space<vmem_shared>> -> memref<100352x8xf32, #tpu.memory_space<vmem_shared>>
    tpu.wait_indirect_dma semaphore(%arg12 : memref<!tpu.dma_semaphore, #tpu.memory_space<semaphore_mem>>) src(%dma_wait3A_84 : memref<2000x8xf32, #tpu.memory_space<vmem>>) dst(%dma_wait3A_90 : memref<100352x8xf32, #tpu.memory_space<vmem_shared>>)
    %dma_wait3A_91 = arith.constant 0 : i32
    %dma_wait3A_92 = arith.constant 3 : i32
    %dma_wait3A_93 = arith.constant 0 : i32
    %dma_wait3A_94 = arith.constant 0 : i32
    %dma_wait3A_95 = tpu.memref_slice %arg7[%dma_wait3A_91, %dma_wait3A_93, %dma_wait3A_94] : memref<3x2000x8xf32, #tpu.memory_space<vmem>> -> memref<1x2000x8xf32, #tpu.memory_space<vmem>>
    %dma_wait3A_96 = tpu.memref_squeeze %dma_wait3A_95 : memref<1x2000x8xf32, #tpu.memory_space<vmem>> -> memref<2000x8xf32, #tpu.memory_space<vmem>>
    %dma_wait3A_97 = arith.constant 0 : i32
    %dma_wait3A_98 = tpu.memref_slice %arg6[%dma_wait3A_92, %dma_wait3A_97] : memref<4x2000xi32, #tpu.memory_space<vmem>> -> memref<1x2000xi32, #tpu.memory_space<vmem>>
    %dma_wait3A_99 = tpu.memref_squeeze %dma_wait3A_98 : memref<1x2000xi32, #tpu.memory_space<vmem>> -> memref<2000xi32, #tpu.memory_space<vmem>>
    %dma_wait3A_100 = arith.constant 0 : i32
    %dma_wait3A_101 = arith.constant 0 : i32
    %dma_wait3A_102 = tpu.memref_slice %arg9[%dma_wait3A_100, %dma_wait3A_101] : memref<100352x8xf32, #tpu.memory_space<vmem_shared>> -> memref<100352x8xf32, #tpu.memory_space<vmem_shared>>
    tpu.wait_indirect_dma semaphore(%arg12 : memref<!tpu.dma_semaphore, #tpu.memory_space<semaphore_mem>>) src(%dma_wait3A_96 : memref<2000x8xf32, #tpu.memory_space<vmem>>) dst(%dma_wait3A_102 : memref<100352x8xf32, #tpu.memory_space<vmem_shared>>)
    %barrier3A_103 = arith.constant 0 : index
    tpu.barrier barrier_id(%barrier3A_103)
    %scan3A_104 = arith.constant 0 : i32
    %scan3A_105 = arith.constant 49 : i32
    %scan3A_106 = arith.addi %scan3A_104, %scan3A_105 : i32
    %scan3A_107 = arith.constant 1 : i32
    scf.for %scan3A_109 = %scan3A_104 to %scan3A_106 step %scan3A_107  : i32 {
      %mul3A_110 = arith.constant 1 : i32
      %mul3A_111 = arith.muli %scan3A_109, %mul3A_110 : i32
      %add3A_112 = arith.constant 0 : i32
      %add3A_113 = arith.addi %add3A_112, %mul3A_111 : i32
      %mul3A_114 = arith.constant 128 : i32
      %mul3A_115 = arith.muli %add3A_113, %mul3A_114 : i32
      %add3A_116 = arith.addi %mul3A_0, %mul3A_115 : i32
      "tpu.region"() ({
        %run_scoped3A = tpu.sem_alloc : memref<!tpu.dma_semaphore, #tpu.memory_space<semaphore_mem>>
        %dma_start3A_117 = arith.constant 0 : i32
        %dma_start3A_118 = tpu.memref_slice %arg4[%arg0, %add3A_116, %dma_start3A_117] : memref<2x100352x8xf32, #tpu.memory_space<hbm>> -> memref<1x128x8xf32, #tpu.memory_space<hbm>>
        %dma_start3A_119 = tpu.memref_squeeze %dma_start3A_118 : memref<1x128x8xf32, #tpu.memory_space<hbm>> -> memref<128x8xf32, #tpu.memory_space<hbm>>
        %dma_start3A_120 = arith.constant 0 : i32
        %dma_start3A_121 = tpu.memref_slice %arg9[%add3A_116, %dma_start3A_120] : memref<100352x8xf32, #tpu.memory_space<vmem_shared>> -> memref<128x8xf32, #tpu.memory_space<vmem_shared>>
        tpu.enqueue_dma source(%dma_start3A_121 : memref<128x8xf32, #tpu.memory_space<vmem_shared>>) target(%dma_start3A_119 : memref<128x8xf32, #tpu.memory_space<hbm>>) target_semaphore(%run_scoped3A : memref<!tpu.dma_semaphore, #tpu.memory_space<semaphore_mem>>)
        %dma_wait3A_122 = arith.constant 0 : i32
        %dma_wait3A_123 = tpu.memref_slice %arg4[%arg0, %add3A_116, %dma_wait3A_122] : memref<2x100352x8xf32, #tpu.memory_space<hbm>> -> memref<1x128x8xf32, #tpu.memory_space<hbm>>
        %dma_wait3A_124 = tpu.memref_squeeze %dma_wait3A_123 : memref<1x128x8xf32, #tpu.memory_space<hbm>> -> memref<128x8xf32, #tpu.memory_space<hbm>>
        %dma_wait3A_125 = arith.constant 0 : i32
        %dma_wait3A_126 = tpu.memref_slice %arg9[%add3A_116, %dma_wait3A_125] : memref<100352x8xf32, #tpu.memory_space<vmem_shared>> -> memref<128x8xf32, #tpu.memory_space<vmem_shared>>
        tpu.wait_dma2 semaphore(%run_scoped3A : memref<!tpu.dma_semaphore, #tpu.memory_space<semaphore_mem>>) src(%dma_wait3A_126 : memref<128x8xf32, #tpu.memory_space<vmem_shared>>) dst(%dma_wait3A_124 : memref<128x8xf32, #tpu.memory_space<hbm>>)
        tpu.yield
      }) : () -> ()
    }
    %scan3A_108 = arith.constant 49 : i32
    return
  }
}

module attributes {stable_mosaic.version = 14 : i64} {
  func.func @_tc_layer1_body(%arg0: i32, %arg1: memref<2x2048x8xf32, #tpu.memory_space<vmem>>, %arg2: memref<2048x4xf32, #tpu.memory_space<vmem>>, %arg3: memref<4x64xf32, #tpu.memory_space<vmem>>, %arg4: memref<1x64xf32, #tpu.memory_space<vmem>>, %arg5: memref<4x64xf32, #tpu.memory_space<vmem>>, %arg6: memref<1x64xf32, #tpu.memory_space<vmem>>, %arg7: memref<1x64xf32, #tpu.memory_space<vmem>>, %arg8: memref<2048x64xf32, #tpu.memory_space<vmem>>) attributes {dimension_semantics = [#tpu.dimension_semantics<arbitrary>], iteration_bounds = array<i64: 49>, scalar_prefetch = 0 : i64, scratch_operands = 0 : i64, tpu.core_type = #tpu.core_type<tc>, window_params = [{transform_indices = @transform_0, window_bounds = array<i64: 2, 2048, 8>}, {transform_indices = @transform_1, window_bounds = array<i64: 2048, 4>}, {pipeline_mode = #tpu.pipeline_mode<synchronous>, transform_indices = @transform_2, window_bounds = array<i64: 4, 64>}, {pipeline_mode = #tpu.pipeline_mode<synchronous>, transform_indices = @transform_3, window_bounds = array<i64: 1, 64>}, {pipeline_mode = #tpu.pipeline_mode<synchronous>, transform_indices = @transform_4, window_bounds = array<i64: 4, 64>}, {pipeline_mode = #tpu.pipeline_mode<synchronous>, transform_indices = @transform_5, window_bounds = array<i64: 1, 64>}, {pipeline_mode = #tpu.pipeline_mode<synchronous>, transform_indices = @transform_6, window_bounds = array<i64: 1, 64>}, {transform_indices = @transform_7, window_bounds = array<i64: 2048, 64>}]} {
    %get3A = arith.constant 0 : index
    %get3A_0 = arith.constant 0 : index
    %get3A_1 = arith.constant 0 : index
    %get3A_2 = vector.load %arg1[%get3A, %get3A_0, %get3A_1] : memref<2x2048x8xf32, #tpu.memory_space<vmem>>, vector<1x2048x8xf32>
    %get3A_3 = vector.shape_cast %get3A_2 : vector<1x2048x8xf32> to vector<2048x8xf32>
    %get3A_4 = arith.constant 1 : index
    %get3A_5 = arith.constant 0 : index
    %get3A_6 = arith.constant 0 : index
    %get3A_7 = vector.load %arg1[%get3A_4, %get3A_5, %get3A_6] : memref<2x2048x8xf32, #tpu.memory_space<vmem>>, vector<1x2048x8xf32>
    %get3A_8 = vector.shape_cast %get3A_7 : vector<1x2048x8xf32> to vector<2048x8xf32>
    %add3A = arith.addf %get3A_3, %get3A_8 : vector<2048x8xf32>
    %slice3A = vector.extract_strided_slice %add3A {offsets = [0, 4], sizes = [2048, 1], strides = [1, 1]} : vector<2048x8xf32> to vector<2048x1xf32>
    %max3A = arith.constant 1.000000e+00 : f32
    %max3A_9 = vector.broadcast %max3A : f32 to vector<2048x1xf32>
    %max3A_10 = arith.maximumf %slice3A, %max3A_9 : vector<2048x1xf32>
    %slice3A_11 = vector.extract_strided_slice %add3A {offsets = [0, 0], sizes = [2048, 4], strides = [1, 1]} : vector<2048x8xf32> to vector<2048x4xf32>
    %div3A = vector.broadcast %max3A_10 : vector<2048x1xf32> to vector<2048x4xf32>
    %div3A_12 = arith.divf %slice3A_11, %div3A : vector<2048x4xf32>
    %get3A_13 = arith.constant 0 : index
    %get3A_14 = arith.constant 0 : index
    %get3A_15 = vector.load %arg3[%get3A_13, %get3A_14] : memref<4x64xf32, #tpu.memory_space<vmem>>, vector<4x64xf32>
    %dot_general3A = arith.constant dense<0.000000e+00> : vector<2048x64xf32>
    %dot_general3A_16 = tpu.matmul %div3A_12, %get3A_15, %dot_general3A {dimension_numbers = #tpu.dot_dimension_numbers<[1], [0], [0], [1], [0, 0, 1, 1], [], []>, transpose_lhs_hint = false} : vector<2048x4xf32>, vector<4x64xf32>, vector<2048x64xf32> -> vector<2048x64xf32>
    %get3A_17 = arith.constant 0 : index
    %get3A_18 = arith.constant 0 : index
    %get3A_19 = vector.load %arg2[%get3A_17, %get3A_18] : memref<2048x4xf32, #tpu.memory_space<vmem>>, vector<2048x4xf32>
    %get3A_20 = arith.constant 0 : index
    %get3A_21 = arith.constant 0 : index
    %get3A_22 = vector.load %arg5[%get3A_20, %get3A_21] : memref<4x64xf32, #tpu.memory_space<vmem>>, vector<4x64xf32>
    %dot_general3A_23 = arith.constant dense<0.000000e+00> : vector<2048x64xf32>
    %dot_general3A_24 = tpu.matmul %get3A_19, %get3A_22, %dot_general3A_23 {dimension_numbers = #tpu.dot_dimension_numbers<[1], [0], [0], [1], [0, 0, 1, 1], [], []>, transpose_lhs_hint = false} : vector<2048x4xf32>, vector<4x64xf32>, vector<2048x64xf32> -> vector<2048x64xf32>
    %add3A_25 = arith.addf %dot_general3A_16, %dot_general3A_24 : vector<2048x64xf32>
    %get3A_26 = arith.constant 0 : index
    %get3A_27 = arith.constant 0 : index
    %get3A_28 = vector.load %arg4[%get3A_26, %get3A_27] : memref<1x64xf32, #tpu.memory_space<vmem>>, vector<1x64xf32>
    %add3A_29 = vector.broadcast %get3A_28 : vector<1x64xf32> to vector<2048x64xf32>
    %add3A_30 = arith.addf %add3A_25, %add3A_29 : vector<2048x64xf32>
    %get3A_31 = arith.constant 0 : index
    %get3A_32 = arith.constant 0 : index
    %get3A_33 = vector.load %arg6[%get3A_31, %get3A_32] : memref<1x64xf32, #tpu.memory_space<vmem>>, vector<1x64xf32>
    %mul3A = vector.broadcast %get3A_33 : vector<1x64xf32> to vector<2048x64xf32>
    %mul3A_34 = arith.mulf %add3A_30, %mul3A : vector<2048x64xf32>
    %get3A_35 = arith.constant 0 : index
    %get3A_36 = arith.constant 0 : index
    %get3A_37 = vector.load %arg7[%get3A_35, %get3A_36] : memref<1x64xf32, #tpu.memory_space<vmem>>, vector<1x64xf32>
    %add3A_38 = vector.broadcast %get3A_37 : vector<1x64xf32> to vector<2048x64xf32>
    %add3A_39 = arith.addf %mul3A_34, %add3A_38 : vector<2048x64xf32>
    %max3A_40 = arith.constant 0.000000e+00 : f32
    %max3A_41 = vector.broadcast %max3A_40 : f32 to vector<2048x64xf32>
    %max3A_42 = arith.maximumf %add3A_39, %max3A_41 : vector<2048x64xf32>
    %swap3A = arith.constant 0 : index
    %swap3A_43 = arith.constant 0 : index
    %swap3A_44 = vector.load %arg8[%swap3A, %swap3A_43] : memref<2048x64xf32, #tpu.memory_space<vmem>>, vector<2048x64xf32>
    tpu.vector_store %arg8[%swap3A, %swap3A_43], %max3A_42 {strides = array<i32>} : memref<2048x64xf32, #tpu.memory_space<vmem>>, vector<2048x64xf32>,
    return
  }
  func.func @transform_0(%arg0: i32) -> (i32, i32, i32) {
    %c0_i32 = arith.constant 0 : i32
    %c0_i32_0 = arith.constant 0 : i32
    %c0_i32_1 = arith.constant 0 : i32
    return %c0_i32, %arg0, %c0_i32_0 : i32, i32, i32
  }
  func.func @transform_1(%arg0: i32) -> (i32, i32) {
    %c0_i32 = arith.constant 0 : i32
    %c0_i32_0 = arith.constant 0 : i32
    return %arg0, %c0_i32 : i32, i32
  }
  func.func @transform_2(%arg0: i32) -> (i32, i32) {
    %c0_i32 = arith.constant 0 : i32
    %c0_i32_0 = arith.constant 0 : i32
    %c0_i32_1 = arith.constant 0 : i32
    return %c0_i32, %c0_i32_0 : i32, i32
  }
  func.func @transform_3(%arg0: i32) -> (i32, i32) {
    %c0_i32 = arith.constant 0 : i32
    %c0_i32_0 = arith.constant 0 : i32
    %c0_i32_1 = arith.constant 0 : i32
    return %c0_i32, %c0_i32_0 : i32, i32
  }
  func.func @transform_4(%arg0: i32) -> (i32, i32) {
    %c0_i32 = arith.constant 0 : i32
    %c0_i32_0 = arith.constant 0 : i32
    %c0_i32_1 = arith.constant 0 : i32
    return %c0_i32, %c0_i32_0 : i32, i32
  }
  func.func @transform_5(%arg0: i32) -> (i32, i32) {
    %c0_i32 = arith.constant 0 : i32
    %c0_i32_0 = arith.constant 0 : i32
    %c0_i32_1 = arith.constant 0 : i32
    return %c0_i32, %c0_i32_0 : i32, i32
  }
  func.func @transform_6(%arg0: i32) -> (i32, i32) {
    %c0_i32 = arith.constant 0 : i32
    %c0_i32_0 = arith.constant 0 : i32
    %c0_i32_1 = arith.constant 0 : i32
    return %c0_i32, %c0_i32_0 : i32, i32
  }
  func.func @transform_7(%arg0: i32) -> (i32, i32) {
    %c0_i32 = arith.constant 0 : i32
    %c0_i32_0 = arith.constant 0 : i32
    return %arg0, %c0_i32 : i32, i32
  }
}

module attributes {stable_mosaic.version = 14 : i64} {
  func.func @_tc_layer2_body(%arg0: i32, %arg1: memref<2x2048x64xf32, #tpu.memory_space<vmem>>, %arg2: memref<2048x64xf32, #tpu.memory_space<vmem>>, %arg3: memref<2x2048x8xf32, #tpu.memory_space<vmem>>, %arg4: memref<64x64xf32, #tpu.memory_space<vmem>>, %arg5: memref<1x64xf32, #tpu.memory_space<vmem>>, %arg6: memref<64x64xf32, #tpu.memory_space<vmem>>, %arg7: memref<1x64xf32, #tpu.memory_space<vmem>>, %arg8: memref<1x64xf32, #tpu.memory_space<vmem>>, %arg9: memref<64x1xf32, #tpu.memory_space<vmem>>, %arg10: memref<1x1xf32, #tpu.memory_space<vmem>>, %arg11: memref<2048xf32, #tpu.memory_space<vmem>>) attributes {dimension_semantics = [#tpu.dimension_semantics<arbitrary>], iteration_bounds = array<i64: 49>, scalar_prefetch = 0 : i64, scratch_operands = 0 : i64, tpu.core_type = #tpu.core_type<tc>, window_params = [{transform_indices = @transform_0, window_bounds = array<i64: 2, 2048, 64>}, {transform_indices = @transform_1, window_bounds = array<i64: 2048, 64>}, {transform_indices = @transform_2, window_bounds = array<i64: 2, 2048, 8>}, {pipeline_mode = #tpu.pipeline_mode<synchronous>, transform_indices = @transform_3, window_bounds = array<i64: 64, 64>}, {pipeline_mode = #tpu.pipeline_mode<synchronous>, transform_indices = @transform_4, window_bounds = array<i64: 1, 64>}, {pipeline_mode = #tpu.pipeline_mode<synchronous>, transform_indices = @transform_5, window_bounds = array<i64: 64, 64>}, {pipeline_mode = #tpu.pipeline_mode<synchronous>, transform_indices = @transform_6, window_bounds = array<i64: 1, 64>}, {pipeline_mode = #tpu.pipeline_mode<synchronous>, transform_indices = @transform_7, window_bounds = array<i64: 1, 64>}, {pipeline_mode = #tpu.pipeline_mode<synchronous>, transform_indices = @transform_8, window_bounds = array<i64: 64, 1>}, {pipeline_mode = #tpu.pipeline_mode<synchronous>, transform_indices = @transform_9, window_bounds = array<i64: 1, 1>}, {transform_indices = @transform_10, window_bounds = array<i64: 2048>}]} {
    %get3A = arith.constant 0 : index
    %get3A_0 = arith.constant 0 : index
    %get3A_1 = arith.constant 0 : index
    %get3A_2 = vector.load %arg3[%get3A, %get3A_0, %get3A_1] : memref<2x2048x8xf32, #tpu.memory_space<vmem>>, vector<1x2048x8xf32>
    %get3A_3 = vector.shape_cast %get3A_2 : vector<1x2048x8xf32> to vector<2048x8xf32>
    %slice3A = vector.extract_strided_slice %get3A_3 {offsets = [0, 4], sizes = [2048, 1], strides = [1, 1]} : vector<2048x8xf32> to vector<2048x1xf32>
    %get3A_4 = arith.constant 1 : index
    %get3A_5 = arith.constant 0 : index
    %get3A_6 = arith.constant 0 : index
    %get3A_7 = vector.load %arg3[%get3A_4, %get3A_5, %get3A_6] : memref<2x2048x8xf32, #tpu.memory_space<vmem>>, vector<1x2048x8xf32>
    %get3A_8 = vector.shape_cast %get3A_7 : vector<1x2048x8xf32> to vector<2048x8xf32>
    %slice3A_9 = vector.extract_strided_slice %get3A_8 {offsets = [0, 4], sizes = [2048, 1], strides = [1, 1]} : vector<2048x8xf32> to vector<2048x1xf32>
    %add3A = arith.addf %slice3A, %slice3A_9 : vector<2048x1xf32>
    %max3A = arith.constant 1.000000e+00 : f32
    %max3A_10 = vector.broadcast %max3A : f32 to vector<2048x1xf32>
    %max3A_11 = arith.maximumf %add3A, %max3A_10 : vector<2048x1xf32>
    %get3A_12 = arith.constant 0 : index
    %get3A_13 = arith.constant 0 : index
    %get3A_14 = arith.constant 0 : index
    %get3A_15 = vector.load %arg1[%get3A_12, %get3A_13, %get3A_14] : memref<2x2048x64xf32, #tpu.memory_space<vmem>>, vector<1x2048x64xf32>
    %get3A_16 = vector.shape_cast %get3A_15 : vector<1x2048x64xf32> to vector<2048x64xf32>
    %get3A_17 = arith.constant 1 : index
    %get3A_18 = arith.constant 0 : index
    %get3A_19 = arith.constant 0 : index
    %get3A_20 = vector.load %arg1[%get3A_17, %get3A_18, %get3A_19] : memref<2x2048x64xf32, #tpu.memory_space<vmem>>, vector<1x2048x64xf32>
    %get3A_21 = vector.shape_cast %get3A_20 : vector<1x2048x64xf32> to vector<2048x64xf32>
    %add3A_22 = arith.addf %get3A_16, %get3A_21 : vector<2048x64xf32>
    %div3A = vector.broadcast %max3A_11 : vector<2048x1xf32> to vector<2048x64xf32>
    %div3A_23 = arith.divf %add3A_22, %div3A : vector<2048x64xf32>
    %get3A_24 = arith.constant 0 : index
    %get3A_25 = arith.constant 0 : index
    %get3A_26 = vector.load %arg2[%get3A_24, %get3A_25] : memref<2048x64xf32, #tpu.memory_space<vmem>>, vector<2048x64xf32>
    %get3A_27 = arith.constant 0 : index
    %get3A_28 = arith.constant 0 : index
    %get3A_29 = vector.load %arg4[%get3A_27, %get3A_28] : memref<64x64xf32, #tpu.memory_space<vmem>>, vector<64x64xf32>
    %dot_general3A = arith.constant dense<0.000000e+00> : vector<2048x64xf32>
    %dot_general3A_30 = tpu.matmul %div3A_23, %get3A_29, %dot_general3A {dimension_numbers = #tpu.dot_dimension_numbers<[1], [0], [0], [1], [0, 0, 1, 1], [], []>, transpose_lhs_hint = false} : vector<2048x64xf32>, vector<64x64xf32>, vector<2048x64xf32> -> vector<2048x64xf32>
    %get3A_31 = arith.constant 0 : index
    %get3A_32 = arith.constant 0 : index
    %get3A_33 = vector.load %arg6[%get3A_31, %get3A_32] : memref<64x64xf32, #tpu.memory_space<vmem>>, vector<64x64xf32>
    %dot_general3A_34 = arith.constant dense<0.000000e+00> : vector<2048x64xf32>
    %dot_general3A_35 = tpu.matmul %get3A_26, %get3A_33, %dot_general3A_34 {dimension_numbers = #tpu.dot_dimension_numbers<[1], [0], [0], [1], [0, 0, 1, 1], [], []>, transpose_lhs_hint = false} : vector<2048x64xf32>, vector<64x64xf32>, vector<2048x64xf32> -> vector<2048x64xf32>
    %add3A_36 = arith.addf %dot_general3A_30, %dot_general3A_35 : vector<2048x64xf32>
    %get3A_37 = arith.constant 0 : index
    %get3A_38 = arith.constant 0 : index
    %get3A_39 = vector.load %arg5[%get3A_37, %get3A_38] : memref<1x64xf32, #tpu.memory_space<vmem>>, vector<1x64xf32>
    %add3A_40 = vector.broadcast %get3A_39 : vector<1x64xf32> to vector<2048x64xf32>
    %add3A_41 = arith.addf %add3A_36, %add3A_40 : vector<2048x64xf32>
    %get3A_42 = arith.constant 0 : index
    %get3A_43 = arith.constant 0 : index
    %get3A_44 = vector.load %arg7[%get3A_42, %get3A_43] : memref<1x64xf32, #tpu.memory_space<vmem>>, vector<1x64xf32>
    %mul3A = vector.broadcast %get3A_44 : vector<1x64xf32> to vector<2048x64xf32>
    %mul3A_45 = arith.mulf %add3A_41, %mul3A : vector<2048x64xf32>
    %get3A_46 = arith.constant 0 : index
    %get3A_47 = arith.constant 0 : index
    %get3A_48 = vector.load %arg8[%get3A_46, %get3A_47] : memref<1x64xf32, #tpu.memory_space<vmem>>, vector<1x64xf32>
    %add3A_49 = vector.broadcast %get3A_48 : vector<1x64xf32> to vector<2048x64xf32>
    %add3A_50 = arith.addf %mul3A_45, %add3A_49 : vector<2048x64xf32>
    %max3A_51 = arith.constant 0.000000e+00 : f32
    %max3A_52 = vector.broadcast %max3A_51 : f32 to vector<2048x64xf32>
    %max3A_53 = arith.maximumf %add3A_50, %max3A_52 : vector<2048x64xf32>
    %get3A_54 = arith.constant 0 : index
    %get3A_55 = arith.constant 0 : index
    %get3A_56 = vector.load %arg9[%get3A_54, %get3A_55] : memref<64x1xf32, #tpu.memory_space<vmem>>, vector<64x1xf32>
    %dot_general3A_57 = arith.constant dense<0.000000e+00> : vector<2048x1xf32>
    %dot_general3A_58 = tpu.matmul %max3A_53, %get3A_56, %dot_general3A_57 {dimension_numbers = #tpu.dot_dimension_numbers<[1], [0], [0], [1], [0, 0, 1, 1], [], []>, transpose_lhs_hint = false} : vector<2048x64xf32>, vector<64x1xf32>, vector<2048x1xf32> -> vector<2048x1xf32>
    %get3A_59 = arith.constant 0 : index
    %get3A_60 = arith.constant 0 : index
    %get3A_61 = vector.load %arg10[%get3A_59, %get3A_60] : memref<1x1xf32, #tpu.memory_space<vmem>>, vector<1x1xf32>
    %add3A_62 = vector.broadcast %get3A_61 : vector<1x1xf32> to vector<2048x1xf32>
    %add3A_63 = arith.addf %dot_general3A_58, %add3A_62 : vector<2048x1xf32>
    %squeeze3A = vector.shape_cast %add3A_63 : vector<2048x1xf32> to vector<2048xf32>
    %logistic3A = arith.negf %squeeze3A : vector<2048xf32>
    %logistic3A_64 = math.exp %logistic3A : vector<2048xf32>
    %logistic3A_65 = arith.constant 1.000000e+00 : f32
    %logistic3A_66 = vector.broadcast %logistic3A_65 : f32 to vector<2048xf32>
    %logistic3A_67 = arith.addf %logistic3A_66, %logistic3A_64 : vector<2048xf32>
    %logistic3A_68 = arith.divf %logistic3A_66, %logistic3A_67 : vector<2048xf32>
    %swap3A = arith.constant 0 : index
    %swap3A_69 = vector.load %arg11[%swap3A] : memref<2048xf32, #tpu.memory_space<vmem>>, vector<2048xf32>
    tpu.vector_store %arg11[%swap3A], %logistic3A_68 {strides = array<i32>} : memref<2048xf32, #tpu.memory_space<vmem>>, vector<2048xf32>,
    return
  }
  func.func @transform_0(%arg0: i32) -> (i32, i32, i32) {
    %c0_i32 = arith.constant 0 : i32
    %c0_i32_0 = arith.constant 0 : i32
    %c0_i32_1 = arith.constant 0 : i32
    return %c0_i32, %arg0, %c0_i32_0 : i32, i32, i32
  }
  func.func @transform_1(%arg0: i32) -> (i32, i32) {
    %c0_i32 = arith.constant 0 : i32
    %c0_i32_0 = arith.constant 0 : i32
    return %arg0, %c0_i32 : i32, i32
  }
  func.func @transform_2(%arg0: i32) -> (i32, i32, i32) {
    %c0_i32 = arith.constant 0 : i32
    %c0_i32_0 = arith.constant 0 : i32
    %c0_i32_1 = arith.constant 0 : i32
    return %c0_i32, %arg0, %c0_i32_0 : i32, i32, i32
  }
  func.func @transform_3(%arg0: i32) -> (i32, i32) {
    %c0_i32 = arith.constant 0 : i32
    %c0_i32_0 = arith.constant 0 : i32
    %c0_i32_1 = arith.constant 0 : i32
    return %c0_i32, %c0_i32_0 : i32, i32
  }
  func.func @transform_4(%arg0: i32) -> (i32, i32) {
    %c0_i32 = arith.constant 0 : i32
    %c0_i32_0 = arith.constant 0 : i32
    %c0_i32_1 = arith.constant 0 : i32
    return %c0_i32, %c0_i32_0 : i32, i32
  }
  func.func @transform_5(%arg0: i32) -> (i32, i32) {
    %c0_i32 = arith.constant 0 : i32
    %c0_i32_0 = arith.constant 0 : i32
    %c0_i32_1 = arith.constant 0 : i32
    return %c0_i32, %c0_i32_0 : i32, i32
  }
  func.func @transform_6(%arg0: i32) -> (i32, i32) {
    %c0_i32 = arith.constant 0 : i32
    %c0_i32_0 = arith.constant 0 : i32
    %c0_i32_1 = arith.constant 0 : i32
    return %c0_i32, %c0_i32_0 : i32, i32
  }
  func.func @transform_7(%arg0: i32) -> (i32, i32) {
    %c0_i32 = arith.constant 0 : i32
    %c0_i32_0 = arith.constant 0 : i32
    %c0_i32_1 = arith.constant 0 : i32
    return %c0_i32, %c0_i32_0 : i32, i32
  }
  func.func @transform_8(%arg0: i32) -> (i32, i32) {
    %c0_i32 = arith.constant 0 : i32
    %c0_i32_0 = arith.constant 0 : i32
    %c0_i32_1 = arith.constant 0 : i32
    return %c0_i32, %c0_i32_0 : i32, i32
  }
  func.func @transform_9(%arg0: i32) -> (i32, i32) {
    %c0_i32 = arith.constant 0 : i32
    %c0_i32_0 = arith.constant 0 : i32
    %c0_i32_1 = arith.constant 0 : i32
    return %c0_i32, %c0_i32_0 : i32, i32
  }
  func.func @transform_10(%arg0: i32) -> i32 {
    %c0_i32 = arith.constant 0 : i32
    return %arg0 : i32
  }
}

</mosaic_0001>

<sc_bundles>
// kernel: kernel.6.cloned.1.call-start
scs
__scs_entry_jumppad:
0x0: {  	(pc) =	sbr.rel $0x88, $3  }
0x1: {  	(tag) =	ssettag $0x0;
	lr =	simm.s32 $0x1  }
0x2: {  	[smem:$0x3F93] =	sst lr;
	_ =	strace $0xD0000000  }
0x3: {  	_ = 	snop  }
0x4: {  	_ = 	snop  }
0x5: {  	_ = 	snop  }
0x6: {  	_ = 	snop  }
0x7: {  	_ = 	snop  }
__scs_overlays_trampoline_lowered:
0x8: {  	[smem:$0x3FA2] =	sst s0  }
0x9: {  	[smem:$0x3FA3] =	sst s1  }
0xa: {  	[smem:$0x3FA4] =	sst s2  }
0xb: {  	[smem:$0x3FA5] =	sst s3  }
0xc: {  	[smem:$0x3FA6] =	sst s4  }
0xd: {  	[smem:$0x3FA7] =	sst s5  }
0xe: {  	[smem:$0x3FA8] =	sst s6  }
0xf: {  	[smem:$0x3FA9] =	sst s7  }
0x10: {  	[smem:$0x3FAA] =	sst s8  }
0x11: {  	[smem:$0x3FAB] =	sst s9;
	s0 =	simm.s32 @!p0 $0x0  }
0x12: {  	s1 =	sld [smem:$0x3F91];
	s0 =	simm.s32 @p0 $0x1  }
0x13: {  	[smem:$0x3FAC] =	sst s0;
	s0 =	simm.s32 @!p1 $0x0  }
0x14: {  	s2 =	sld [smem:$0x3F90];
	s0 =	simm.s32 @p1 $0x1  }
0x15: {  	[smem:$0x3FAD] =	sst s0;
	s0 =	simm.s32 @!p2 $0x0  }
0x16: {  	s3 =	sld [smem:$0x3FDB];
	s0 =	simm.s32 @p2 $0x1  }
0x17: {  	s4 =	simm.s32 $0x1BF5;
	[smem:$0x3FAF] =	sst s0  }
0x18: {  	s0 =	sld [smem:$0x3F92];
	_ =	swait.ge [sflag:s4], $0x0  }
0x19: {  	s7 =	sld [smem:$0x3F93]  }
0x1a: {  	s8 =	sadd.s32 $0xFFFFE003, lr  }
0x1b: {  	s9 =	sadd.s32 $0xFFFFFEF7, lr;
	s5 =	simm.s32 $0xFFFFFFFF;
	p2 =	slt.u32 s8, $0xFFFFF086  }
0x1c: {  	p1 =	slt.u32 s9, $0xF7A;
	s5 =	simm.s32 @!p2 $0x0  }
0x1d: {  	s5 =	simm.s32 @p1 $0x1;
	p0 =	seq.s32 s7, s2  }
0x1e: {  	s7 =	smul.u32 @!p0 $0xF7A, s2;
	p2 =	seq.s32 @!p0 s5, $0x0  }
0x1f: {  	s9 =	smul.u32 $0xF7A, s1;
	s8 =	simm.s32 @!p0 $0x1BF5;
	p2 =	por !p2, p0  }
0x20: {  	[sflag:s8] =	ssyncset.s32 @!p0 $0xFFFFF086;
	s6 =	sadd.s32 @!p0 s3, s7;
	s7 =	simm.s32 @!p0 $0x108  }
0x21: {  	s3 =	sadd.s32 s3, s9;
	s6 =	sadd.s32 @!p0 $0x88, s6;
	s7 =	simm.s32 @p2 $0x1082  }
0x22: {  	[simem:s7], [sflag:s8] =	dma.local @!p0 [hbm:s6], $0xF7A  }
0x23: {  	s9 =	sor.u32 $0xD0000000, s2;
	s6 =	simm.s32 $0x108;
	_ =	swait.ge @!p0 [sflag:s8], $0x0  }
0x24: {  	s3 =	sadd.s32 $0x88, s3;
	s6 =	simm.s32 @!p1 $0x1082;
	[sflag:s4] =	ssyncset.s32 $0xFFFFF086  }
0x25: {  	[simem:s6], [sflag:s4] =	dma.local [hbm:s3], $0xF7A  }
0x26: {  	[smem:$0x3F93] =	sst s1;
	(tag) =	ssettag s2;
	_ =	strace s9  }
0x27: {  	s1 =	sld [smem:$0x3FA3]  }
0x28: {  	s2 =	sld [smem:$0x3FA4]  }
0x29: {  	s4 =	sld [smem:$0x3FA6]  }
0x2a: {  	p0 =	seq.s32 s5, $0x0;
	s5 =	sld [smem:$0x3FA7]  }
0x2b: {  	s6 =	sld [smem:$0x3FA8]  }
0x2c: {  	s7 =	sld [smem:$0x3FA9]  }
0x2d: {  	s3 =	simm.s32 $0x108;
	s8 =	sld [smem:$0x3FAA]  }
0x2e: {  	s3 =	simm.s32 @!p0 $0x1082;
	s9 =	sld [smem:$0x3FAB]  }
0x2f: {  	lr =	sadd.s32 s0, s3;
	s0 =	sld [smem:$0x3FA2]  }
0x30: {  	s3 =	sld [smem:$0x3FA5]  }
0x31: {  	[smem:$0x3FAE] =	sst s10  }
0x32: {  	s10 =	sld [smem:$0x3FAC];
	_ =	sdelay $0x3  }
0x33: {  	p0 =	seq.s32 s10, $0x1;
	s10 =	sld [smem:$0x3FAE];
	_ =	sdelay $0x3  }
0x34: {  	[smem:$0x3FAE] =	sst s10  }
0x35: {  	s10 =	sld [smem:$0x3FAD];
	_ =	sdelay $0x3  }
0x36: {  	p1 =	seq.s32 s10, $0x1;
	s10 =	sld [smem:$0x3FAE];
	_ =	sdelay $0x3  }
0x37: {  	[smem:$0x3FAE] =	sst s10  }
0x38: {  	s10 =	sld [smem:$0x3FAF]  }
0x39: {  	_ = 	snop;
	(pc) =	sbr.ind lr, $3  }
0x3a: {  	_ = 	snop  }
0x3b: {  	_ = 	snop  }
0x3c: {  	p2 =	seq.s32 s10, $0x1;
	s10 =	sld [smem:$0x3FAE]  }
0x3d: {  	_ =	shalt  }
0x3e: {  	_ =	shalt  }
0x3f: {  	_ =	shalt  }
0x40: {  	_ =	shalt  }
0x41: {  	_ =	shalt  }
0x42: {  	_ =	shalt  }
0x43: {  	_ =	shalt  }
0x44: {  	_ =	shalt  }
0x45: {  	_ =	shalt  }
0x46: {  	_ =	shalt  }
0x47: {  	_ =	shalt  }
0x48: {  	_ =	shalt  }
0x49: {  	_ =	shalt  }
0x4a: {  	_ =	shalt  }
0x4b: {  	_ =	shalt  }
0x4c: {  	_ =	shalt  }
0x4d: {  	_ =	shalt  }
0x4e: {  	_ =	shalt  }
0x4f: {  	_ =	shalt  }
0x50: {  	_ =	shalt  }
0x51: {  	_ =	shalt  }
0x52: {  	_ =	shalt  }
0x53: {  	_ =	shalt  }
0x54: {  	_ =	shalt  }
0x55: {  	_ =	shalt  }
0x56: {  	_ =	shalt  }
0x57: {  	_ =	shalt  }
0x58: {  	_ =	shalt  }
0x59: {  	_ =	shalt  }
0x5a: {  	_ =	shalt  }
0x5b: {  	_ =	shalt  }
0x5c: {  	_ =	shalt  }
0x5d: {  	_ =	shalt  }
0x5e: {  	_ =	shalt  }
0x5f: {  	_ =	shalt  }
0x60: {  	_ =	shalt  }
0x61: {  	_ =	shalt  }
0x62: {  	_ =	shalt  }
0x63: {  	_ =	shalt  }
0x64: {  	_ =	shalt  }
0x65: {  	_ =	shalt  }
0x66: {  	_ =	shalt  }
0x67: {  	_ =	shalt  }
0x68: {  	_ =	shalt  }
0x69: {  	_ =	shalt  }
0x6a: {  	_ =	shalt  }
0x6b: {  	_ =	shalt  }
0x6c: {  	_ =	shalt  }
0x6d: {  	_ =	shalt  }
0x6e: {  	_ =	shalt  }
0x6f: {  	_ =	shalt  }
0x70: {  	_ =	shalt  }
0x71: {  	_ =	shalt  }
0x72: {  	_ =	shalt  }
0x73: {  	_ =	shalt  }
0x74: {  	_ =	shalt  }
0x75: {  	_ =	shalt  }
0x76: {  	_ =	shalt  }
0x77: {  	_ =	shalt  }
0x78: {  	_ =	shalt  }
0x79: {  	_ =	shalt  }
0x7a: {  	_ =	shalt  }
0x7b: {  	_ =	shalt  }
0x7c: {  	_ =	shalt  }
0x7d: {  	_ =	shalt  }
0x7e: {  	_ =	shalt  }
0x7f: {  	_ =	shalt  }
0x80: {  	_ =	shalt  }
0x81: {  	_ =	shalt  }
0x82: {  	_ =	shalt  }
0x83: {  	_ =	shalt  }
0x84: {  	_ =	shalt  }
0x85: {  	_ =	shalt  }
0x86: {  	_ =	shalt  }
0x87: {  	_ =	shalt  }
.Lfunc_end0:
.L_simem_size_0:
called_computation.1_lowered:
.L_overlay_start_0:
0x88: {  	s2 =	sld [smem:$0x3FD9]  }
0x89: {  	s3 =	sld [smem:$0x3FFE];
	_ =	sdelay $0x1  }
0x8a: {  	s1 =	srdreg.scid  }
0x8b: {  	s0 =	sand.u32 $0x1, s1  }
0x8c: {  	s16 =	sshll.u32 s0, $0xA;
	s2 =	sadd.s32 s3, s2  }
0x8d: {  	s2 =	sadd.s32 s2, s16  }
0x8e: {  	[smem:$0x3FBA] =	sst s2  }
0x8f: {  	_ = 	snop  }
0x90: {  	(tm) =	ssettm $0x1  }
0x91: {  	s17 =	sld [smem:$0x3FFB];
	_ =	sdelay $0x3  }
0x92: {  	_ =	strace s17  }
0x93: {  	s2 =	sld [smem:$0x3FFC];
	_ =	sdelay $0x3  }
0x94: {  	_ =	strace s2  }
0x95: {  	s2 =	sld [smem:$0x3FFD];
	_ =	sdelay $0x3  }
0x96: {  	_ =	strace s2  }
0x97: {  	_ =	strace $0x8FFFFFFF  }
0x98: {  	s18 =	sld [smem:$0x3FDB];
	_ =	sdelay $0x1  }
0x99: {  	s19 =	simm.s32 $_scs_section_size  }
0x9a: {  	s4 =	simm.s32 $_size__tile_overlayer_lowered;
	s5 =	simm.s32 $_tile_overlayer_lowered  }
0x9b: {  	s22 =	simm.s32 $0x1BFF;
	s21 =	sshll.u32 s5, $0x1;
	s2 =	sadd.s32 s19, s18  }
0x9c: {  	s6 =	simm.s32 $0x0;
	s20 =	sshll.u32 s4, $0x1;
	s4 =	sadd.s32 s21, s2  }
0x9d: {  	[timem:s6], [sflag:s22] =	dma.local [hbm:s4], s20  }
0x9e: {  	_ =	swait.ge [sflag:s22], s20  }
0x9f: {  	s3 =	ssub.s32 $0x0, s20;
	[sflag:s22] =	ssyncset.done $0x0  }
0xa0: {  	[sflag:s22] =	ssyncadd.s32 s3;
	_ =	sdelay $0x1  }
0xa1: {  	s23 =	simm.s32 $0x1B8B  }
0xa2: {  	_ =	swait.ge [sflag:s23], $0x1  }
0xa3: {  	[sflag:s23] =	ssyncset.done $0x0  }
0xa4: {  	s25 =	simm.s32 $0x1B8E;
	s24 =	sld [smem:$0x3FFE];
	[sflag:s23] =	ssyncadd.s32 $0xFFFFFFFF  }
0xa5: {  	s26 =	simm.s32 $execute0_lowered;
	[smem:$0x3FD2] =	sst s25  }
0xa6: {  	s4 =	sshll.u32 s26, $0x1;
	_ =	strace $0x80000049;
	[dreg:$0x1] =	wrdreg $0xFFFFFFFF  }
0xa7: {  	s28 =	simm.s32 $_size_execute0_lowered;
	s2 =	sadd.s32 s2, s4;
	[dreg:$0x0] =	wrdreg $0x0  }
0xa8: {  	s4 =	sshll.u32 s28, $0x1;
	[dreg:$0x2] =	wrdreg s2  }
0xa9: {  	[dreg:$0x3] =	wrdreg s4  }
0xaa: {  	[dreg:$0x4] =	wrdreg $0xC0  }
0xab: {  	_ =	task [dreg:s6], $0x5FFFF  }
0xac: {  	[dreg:$0x1] =	wrdreg $0xFFFFFFFF  }
0xad: {  	[dreg:$0x0] =	wrdreg $0x60  }
0xae: {  	[dreg:$0x2] =	wrdreg s24  }
0xaf: {  	[dreg:$0x3] =	wrdreg $0xFE000  }
0xb0: {  	[dreg:$0x4] =	wrdreg $0x9  }
0xb1: {  	_ =	task.clear_ibuf [dreg:s6], $0x5FFFF;
	_ =	strace $0x90000049  }
0xb2: {  	s29 =	simm.s32 $0x9;
	_ =	strace $0x8000004B  }
0xb3: {  	_ =	swait.ge [sflag:s29], $0x1  }
0xb4: {  	[sflag:s29] =	ssyncadd.s32 $0xFFFFFFFF  }
0xb5: {  	_ =	strace $0x9000004B  }
0xb6: {  	_ =	sfence  }
0xb7: {  	s30 =	sld [smem:$0x0];
	_ =	sdelay $0x2  }
0xb8: {  	s31 =	sshll.u32 s1, $0xD;
	s1 =	sshrl.u32 s1, $0x2  }
0xb9: {  	s3 =	sand.u32 $0x4000, s31;
	s1 =	sadd.s32 s1, s30  }
0xba: {  	s0 =	sor.u32 s3, s0;
	s1 =	sshll.u32 s1, $0x11  }
0xbb: {  	s0 =	sor.u32 s1, s0  }
0xbc: {  	s0 =	sadd.s32 $0x8F2B, s0  }
0xbd: {  	[sflag:s0] =	ssyncadd.remote.s32 $0x1  }
0xbe: {  	_ =	sfence.sel $0xFFFF  }
0xbf: {  	[dreg:$0x0] =	wrdreg $0xFFFFFFFF;
	(pc) =	sbr.abs _section_cstart, $3  }
0xc0: {  	[dreg:$0x1] =	wrdreg $0xFFFFFFFF  }
0xc1: {  	_ =	task.clear_ibuf [dreg:s6], $0x2FFFF;
	_ =	strace $0x9FFFFFFF  }
0xc2: {  	(tm) =	ssettm $0x7FFFFFFF  }
0xc3: {  	_ =	shalt  }
tec
execute0_lowered:
.L_overlay_start_1:
0x0: {  	(tag) =	ssettag $0x1  }
0x1: {  	s7 =	rddreg [dreg:$0x0];
	s0 =	srdreg.scid  }
0x2: {  	s2 =	rddreg [dreg:$0x1];
	s1 =	stileid.u32  }
0x3: {  	s3 =	simm.s32 $0x0;
	s13 =	simm.s32 $0x4;
	s14 =	simm.s32 $0x1F40  }
0x4: {  	s15 =	simm.s32 $0x1;
	s16 =	simm.s32 $0x3;
	s17 =	simm.s32 $0x7D0  }
0x5: {  	s18 =	simm.s32 $0x2;
	s19 =	simm.s32 $0x36B0;
	s9 =	smul.u32 $0xC400, s1  }
0x6: {  	s20 =	simm.s32 $0x3E80;
	s21 =	simm.s32 $0x0;
	s11 =	smul.u32 $0x30D40, s1  }
0x7: {  	s8 =	sand.u32 $0x1, s0;
	s0 =	rddreg [dreg:$0x2];
	s28 =	smul.u32 $0x31000, s1  }
0x8: {  	[smem:$0x7FF] =	sst s3;
	s4 =	sadd.s32 $0x188E00, s7;
	s6 =	smul.u32 $0xC4000, s8  }
0x9: {  	s5 =	sadd.s32 $0x2400, s7;
	s10 =	smul.u32 $0x30D400, s8;
	s8 =	ssub.s32 $0x2, s8  }
0xa: {  	_ =	strace $0x8000004A;
	s31 =	sshrl.u32 s8, $0x1;
	s6 =	sadd.s32 s9, s6  }
0xb: {  	s12 =	ssub.s32 s8, s31;
	s9 =	sshrl.u32 s6, $0x3;
	s6 =	sadd.s32 s11, s10  }
0xc: {  	s10 =	sshrl.u32 s28, $0x2;
	s29 =	sadd.s32 s9, s7;
	s30 =	sshrl.u32 s6, $0x3  }
0xd: {  	s8 =	sadd.s32 s10, s2;
	s10 =	smax.u32 s12, $0x1;
	s7 =	sadd.s32 s5, s30  }
0xe: {  	v0 =	vimm.f32 $0.0e+00;
	s12 =	simm.s32 $0xFA00;
	s11 =	sadd.s32 $0x1A1600, s29;
	s9 =	sadd.s32 $0xC3500, s7  }
.LBB2_1:
0xf: {  	s22 =	simm.s32 $0x0  }
.LBB2_2:
0x10: {  	p0 =	sne.s32 s22, $0xFC0  }
.Ltmp0:
0x11: {  	_ = 	snop;
	(pc) =	sbr.rel @p0 .LBB2_2-.Ltmp0, $4  }
0x12: {  	_ = 	snop  }
0x13: {  	s23 =	sshra.s32 s22, $0x2  }
0x14: {  	[tilespmem:s23+$0xFA00] =	vst.msk $0xff, v0  }
0x15: {  	s22 =	sadd.s32 $0x40, s22;
	[tilespmem:s23+$0xFA08] =	vst.msk $0xff, v0  }
0x16: {  	s22 =	sadd.s32 $0x0, s8  }
0x17: {  	[spmem:s22] =	stream.linear.scatter [tilespmem:s12], [sflag:$0x4], $0x400, $0x38;
	[tilespmem:$0x1C200] =	vst v63  }
0x18: {  	s22 =	simm.s32 $0x1000;
	_ =	swait.ge [sflag:s13], $0x400  }
.LBB2_4:
0x19: {  	s23 =	sshra.s32 s22, $0x2;
	[sflag:s13] =	ssyncset.done $0x0;
	p0 =	sne.s32 s22, $0x30000  }
.Ltmp1:
0x1a: {  	s23 =	sadd.s32 s23, s8;
	[sflag:s13] =	ssyncadd.s32 $0xFFFFFC00;
	(pc) =	sbr.rel @p0 .LBB2_4-.Ltmp1, $3  }
0x1b: {  	[spmem:s23] =	stream.linear.scatter [tilespmem:s12], [sflag:$0x4], $0x400, $0x38;
	[tilespmem:$0x1C200] =	vst v63  }
0x1c: {  	s22 =	sadd.s32 $0x1000, s22;
	_ =	sdelay $0x1  }
0x1d: {  	_ =	swait.ge [sflag:s13], $0x400  }
0x1e: {  	[sflag:s13] =	ssyncset.done $0x0  }
.Ltmp2:
0x1f: {  	[sflag:s13] =	ssyncadd.s32 $0xFFFFFC00;
	(pc) =	sbr.rel .LBB2_6-.Ltmp2, $4  }
0x20: {  	s22 =	simm.s32 $0x0;
	[bflag:$0x0] =	sbarrier.arrive $0xFFFF  }
0x21: {  	[tilespmem:s22], [sflag:$0x1] =	stream.linear.gather [hbm4b:s7+s22], $0x7D0, $0x38;
	[tilespmem:$0x1C200] =	vst v63  }
0x22: {  	_ = 	snop  }
0x23: {  	[tilespmem:s14], [sflag:$0x1] =	stream.linear.gather [hbm4b:s9+s22], $0x7D0, $0x38;
	[tilespmem:$0x1C200] =	vst v63  }
.LBB2_11:
0x24: {  	s24 =	sadd.s32 $0x2, s22  }
0x25: {  	s25 =	sand.u32 $0xFF, s24  }
0x26: {  	s25 =	smul.u32 $0xAB, s25;
	_ =	sdelay $0x1  }
0x27: {  	s25 =	sshrl.u32 s25, $0x9  }
0x28: {  	s25 =	smul.u32 $0x3, s25  }
0x29: {  	s31 =	sadd.s32 $0xFFFFFFFF, s22  }
0x2a: {  	s22 =	sand.u32 $0x3, s31;
	s24 =	ssub.s32 s24, s25  }
0x2b: {  	s22 =	smul.u32 $0x1F40, s22;
	s24 =	sand.u32 $0xFF, s24  }
0x2c: {  	s24 =	smul.u32 $0xFA00, s24  }
0x2d: {  	_ =	swait.ge [sflag:s18], $0x3E80  }
0x2e: {  	[sflag:s18] =	ssyncset.done $0x0;
	s22 =	sshrl.u32 s22, $0x2;
	s24 =	sshrl.u32 s24, $0x2  }
0x2f: {  	[sflag:s18] =	ssyncadd.s32 $0xFFFFC180;
	s22 =	sadd.s32 $0x1F40, s22;
	s24 =	sadd.s32 $0x3E80, s24  }
0x30: {  	[spmem:s2] =	stream.indirect.scatter.add.f32 [tilespmem:s24], [sflag:$0x3], $0x8, s22, s17, $0xb8;
	[tilespmem:$0x1C200] =	vst v63  }
0x31: {  	s22 =	smov.u32 s23  }
.LBB2_12:
0x32: {  	p0 =	slt.u32 s22, $0x64  }
.Ltmp3:
0x33: {  	_ = 	snop;
	(pc) =	sbr.rel @!p0 .LBB2_13-.Ltmp3, $1  }
0x34: {  	_ =	sdelay $0x3  }
.LBB2_6:
0x35: {  	s23 =	smul.u32 $0xAB, s22;
	_ =	sdelay $0x1  }
0x36: {  	s23 =	sshrl.u32 s23, $0x9  }
0x37: {  	s23 =	sand.u32 $0x7F, s23  }
0x38: {  	s23 =	smul.u32 $0x3, s23  }
0x39: {  	_ =	swait.ge [sflag:s15], $0x7D0;
	s24 =	sand.u32 $0x3, s22;
	p0 =	sgt.u32 s22, $0x2  }
.Ltmp4:
0x3a: {  	[sflag:s15] =	ssyncset.done $0x0;
	s23 =	ssub.s32 s22, s23;
	(pc) =	sbr.rel @!p0 .LBB2_7-.Ltmp4, $4  }
0x3b: {  	s24 =	smul.u32 $0x1F40, s24;
	[sflag:s15] =	ssyncadd.s32 $0xFFFFF830;
	s23 =	sand.u32 $0xFF, s23  }
0x3c: {  	_ =	swait.ge [sflag:s15], $0x7D0;
	s25 =	smul.u32 $0xFA00, s23  }
0x3d: {  	[sflag:s15] =	ssyncset.done $0x0  }
0x3e: {  	[sflag:s15] =	ssyncadd.s32 $0xFFFFF830;
	s23 =	sshrl.u32 s24, $0x2;
	s24 =	sshrl.u32 s25, $0x2  }
0x3f: {  	p0 =	seq.s32 s22, $0x63  }
.Ltmp5:
0x40: {  	_ =	swait.ge [sflag:s16], $0x3E80;
	(pc) =	sbr.rel @p0 .LBB2_11-.Ltmp5, $4  }
.Ltmp6:
0x41: {  	[sflag:s16] =	ssyncset.done $0x0;
	(pc) =	sbr.rel @!p0 .LBB2_9-.Ltmp6, $4  }
0x42: {  	s24 =	sadd.s32 $0x3E80, s24;
	[sflag:s16] =	ssyncadd.s32 $0xFFFFC180  }
0x43: {  	[tilespmem:s24], [sflag:$0x2] =	stream.indirect.gather [hbm4b:s4+s17], $0x8, s23, s17, $0xb8;
	[tilespmem:$0x1C200] =	vst v63  }
0x44: {  	s23 =	simm.s32 $0x64  }
0x45: {  	_ = 	snop  }
.LBB2_7:
0x46: {  	s24 =	sadd.s32 $0x3E80, s24  }
0x47: {  	[tilespmem:s24], [sflag:$0x2] =	stream.indirect.gather [hbm4b:s4+s17], $0x8, s23, s17, $0xb8;
	[tilespmem:$0x1C200] =	vst v63  }
.LBB2_9:
0x48: {  	s23 =	sadd.s32 $0x1, s22  }
0x49: {  	s24 =	smul.u32 $0x7D0, s23  }
0x4a: {  	s25 =	sand.u32 $0x3, s23  }
0x4b: {  	p0 =	seq.s32 s22, $0x0;
	s25 =	smul.u32 $0x7D0, s25;
	s24 =	sadd.s32 s6, s24  }
.Ltmp7:
0x4c: {  	s24 =	sshrl.u32 s24, $0x3;
	(pc) =	sbr.rel @!p0 .LBB2_11-.Ltmp7, $4  }
0x4d: {  	s24 =	sadd.s32 s5, s24  }
0x4e: {  	[tilespmem:s25], [sflag:$0x1] =	stream.linear.gather [hbm4b:s24+s3], $0x7D0, $0x38;
	[tilespmem:$0x1C200] =	vst v63  }
0x4f: {  	s25 =	sadd.s32 $0x1F40, s25;
	s24 =	sadd.s32 $0xC3500, s24  }
0x50: {  	[tilespmem:s25], [sflag:$0x1] =	stream.linear.gather [hbm4b:s24+s3], $0x7D0, $0x38;
	[tilespmem:$0x1C200] =	vst v63  }
.Ltmp8:
0x51: {  	(pc) =	sbr.rel .LBB2_12-.Ltmp8, $2  }
0x52: {  	_ =	sdelay $0x2  }
0x53: {  	s22 =	simm.s32 $0x1  }
.LBB2_13:
0x54: {  	_ =	swait.ge [sflag:s18], $0x3E80  }
0x55: {  	[sflag:s18] =	ssyncset.done $0x0  }
0x56: {  	[sflag:s18] =	ssyncadd.s32 $0xFFFFC180  }
0x57: {  	[spmem:s2] =	stream.indirect.scatter.add.f32 [tilespmem:s20], [sflag:$0x3], $0x8, s19, s17, $0xb8;
	[tilespmem:$0x1C200] =	vst v63  }
0x58: {  	_ =	swait.ge [sflag:s16], $0x3E80  }
0x59: {  	[sflag:s16] =	ssyncset.done $0x0  }
0x5a: {  	[sflag:s16] =	ssyncadd.s32 $0xFFFFC180  }
0x5b: {  	_ =	swait.ge [sflag:s16], $0x3E80  }
0x5c: {  	[sflag:s16] =	ssyncset.done $0x0  }
0x5d: {  	[sflag:s16] =	ssyncadd.s32 $0xFFFFC180  }
0x5e: {  	_ =	swait.ge [sflag:s16], $0x3E80  }
0x5f: {  	[sflag:s16] =	ssyncset.done $0x0  }
0x60: {  	s22 =	sshll.u32 s1, $0x6;
	s23 =	sadd.s32 $0x0, s11;
	[sflag:s16] =	ssyncadd.s32 $0xFFFFC180  }
0x61: {  	s24 =	sshrl.u32 s8, $0x3;
	s22 =	sor.u32 $0x1C04, s22;
	[bflag:$0x0] =	sbarrier.arrive $0xFFFF  }
0x62: {  	[hbm:s23], [sflag:s22] =	dma.local [spmem:s24], $0x80  }
0x63: {  	s23 =	simm.s32 $0x80;
	s24 =	sadd.s32 $0x400, s8;
	_ =	swait.ge [sflag:s13], $0x80  }
.LBB2_14:
0x64: {  	s25 =	sadd.s32 s23, s11;
	[sflag:s13] =	ssyncset.done $0x0;
	p0 =	sne.s32 s23, $0x1800  }
.Ltmp9:
0x65: {  	s26 =	sshrl.u32 s24, $0x3;
	[sflag:s13] =	ssyncadd.s32 $0xFFFFFF80;
	(pc) =	sbr.rel @p0 .LBB2_14-.Ltmp9, $3  }
0x66: {  	[hbm:s25], [sflag:s22] =	dma.local [spmem:s26], $0x80  }
0x67: {  	s23 =	sadd.s32 $0x80, s23;
	_ =	sdelay $0x1  }
0x68: {  	s24 =	sadd.s32 $0x400, s24;
	_ =	swait.ge [sflag:s13], $0x80  }
0x69: {  	s21 =	sadd.s32 $0x1, s21  }
0x6a: {  	p0 =	sne.s32 s21, s10  }
.Ltmp10:
0x6b: {  	_ = 	snop;
	(pc) =	sbr.rel @p0 .LBB2_1-.Ltmp10, $3  }
0x6c: {  	_ =	sdelay $0x1  }
0x6d: {  	[sflag:s13] =	ssyncset.done $0x0  }
0x6e: {  	[sflag:s13] =	ssyncadd.s32 $0xFFFFFF80  }
0x6f: {  	_ =	sfence.sel $0x180000  }
0x70: {  	[bflag:$0x0] =	sbarrier.arrive $0xFFFF  }
0x71: {  	p0 =	sne.s32 s1, $0x0;
	_ =	strace $0x9000004A  }
0x72: {  	s0 =	sadd.s32 @!p0 $0x100000, s0;
	[bflag:$0x2] =	sbarrier.arrive $0xFFFF  }
0x73: {  	[sflag:s0] =	ssyncadd.tile.s32 @!p0 $0x1;
	_ =	shalt  }
.Lfunc_end2:
_tile_overlayer_lowered:
.L_overlay_start_2:
0x74: {  	(tag) =	ssettag $0x2  }
0x75: {  	s0 =	rddreg [dreg:$0x0];
	s2 =	stileid.u32  }
0x76: {  	s1 =	rddreg [dreg:$0x1];
	p0 =	sne.s32 s2, $0x0  }
0x77: {  	s3 =	rddreg [dreg:$0x2];
	[bflag:$0x3] =	sbarrier.arrive $0xFFFF;
	s2 =	simm.s32 @!p0 $0x1C04  }
0x78: {  	[timem:s3], [sflag:s2] =	dma.local @!p0 [hbm:s0], s1  }
0x79: {  	s0 =	simm.s32 @!p0 $0x4  }
0x7a: {  	_ =	swait.ge @!p0 [sflag:s0], s1  }
0x7b: {  	s1 =	ssub.s32 @!p0 $0x0, s1;
	[sflag:s0] =	ssyncset.done @!p0 $0x0  }
0x7c: {  	[sflag:s0] =	ssyncadd.s32 @!p0 s1  }
0x7d: {  	[bflag:$0x3] =	sbarrier.arrive $0xFFFF  }
0x7e: {  	_ =	shalt  }

// kernel: kernel.9.cloned.1.call-start
scs
__scs_entry_jumppad:
0x0: {  	(pc) =	sbr.rel $0x88, $3  }
0x1: {  	(tag) =	ssettag $0x0;
	lr =	simm.s32 $0x1  }
0x2: {  	[smem:$0x3F93] =	sst lr;
	_ =	strace $0xD0000000  }
0x3: {  	_ = 	snop  }
0x4: {  	_ = 	snop  }
0x5: {  	_ = 	snop  }
0x6: {  	_ = 	snop  }
0x7: {  	_ = 	snop  }
__scs_overlays_trampoline_lowered:
0x8: {  	[smem:$0x3FA2] =	sst s0  }
0x9: {  	[smem:$0x3FA3] =	sst s1  }
0xa: {  	[smem:$0x3FA4] =	sst s2  }
0xb: {  	[smem:$0x3FA5] =	sst s3  }
0xc: {  	[smem:$0x3FA6] =	sst s4  }
0xd: {  	[smem:$0x3FA7] =	sst s5  }
0xe: {  	[smem:$0x3FA8] =	sst s6  }
0xf: {  	[smem:$0x3FA9] =	sst s7  }
0x10: {  	[smem:$0x3FAA] =	sst s8  }
0x11: {  	[smem:$0x3FAB] =	sst s9;
	s0 =	simm.s32 @!p0 $0x0  }
0x12: {  	s1 =	sld [smem:$0x3F91];
	s0 =	simm.s32 @p0 $0x1  }
0x13: {  	[smem:$0x3FAC] =	sst s0;
	s0 =	simm.s32 @!p1 $0x0  }
0x14: {  	s2 =	sld [smem:$0x3F90];
	s0 =	simm.s32 @p1 $0x1  }
0x15: {  	[smem:$0x3FAD] =	sst s0;
	s0 =	simm.s32 @!p2 $0x0  }
0x16: {  	s3 =	sld [smem:$0x3FDB];
	s0 =	simm.s32 @p2 $0x1  }
0x17: {  	s4 =	simm.s32 $0x1BF5;
	[smem:$0x3FAF] =	sst s0  }
0x18: {  	s0 =	sld [smem:$0x3F92];
	_ =	swait.ge [sflag:s4], $0x0  }
0x19: {  	s7 =	sld [smem:$0x3F93]  }
0x1a: {  	s8 =	sadd.s32 $0xFFFFE003, lr  }
0x1b: {  	s9 =	sadd.s32 $0xFFFFFEF7, lr;
	s5 =	simm.s32 $0xFFFFFFFF;
	p2 =	slt.u32 s8, $0xFFFFF086  }
0x1c: {  	p1 =	slt.u32 s9, $0xF7A;
	s5 =	simm.s32 @!p2 $0x0  }
0x1d: {  	s5 =	simm.s32 @p1 $0x1;
	p0 =	seq.s32 s7, s2  }
0x1e: {  	s7 =	smul.u32 @!p0 $0xF7A, s2;
	p2 =	seq.s32 @!p0 s5, $0x0  }
0x1f: {  	s9 =	smul.u32 $0xF7A, s1;
	s8 =	simm.s32 @!p0 $0x1BF5;
	p2 =	por !p2, p0  }
0x20: {  	[sflag:s8] =	ssyncset.s32 @!p0 $0xFFFFF086;
	s6 =	sadd.s32 @!p0 s3, s7;
	s7 =	simm.s32 @!p0 $0x108  }
0x21: {  	s3 =	sadd.s32 s3, s9;
	s6 =	sadd.s32 @!p0 $0x88, s6;
	s7 =	simm.s32 @p2 $0x1082  }
0x22: {  	[simem:s7], [sflag:s8] =	dma.local @!p0 [hbm:s6], $0xF7A  }
0x23: {  	s9 =	sor.u32 $0xD0000000, s2;
	s6 =	simm.s32 $0x108;
	_ =	swait.ge @!p0 [sflag:s8], $0x0  }
0x24: {  	s3 =	sadd.s32 $0x88, s3;
	s6 =	simm.s32 @!p1 $0x1082;
	[sflag:s4] =	ssyncset.s32 $0xFFFFF086  }
0x25: {  	[simem:s6], [sflag:s4] =	dma.local [hbm:s3], $0xF7A  }
0x26: {  	[smem:$0x3F93] =	sst s1;
	(tag) =	ssettag s2;
	_ =	strace s9  }
0x27: {  	s1 =	sld [smem:$0x3FA3]  }
0x28: {  	s2 =	sld [smem:$0x3FA4]  }
0x29: {  	s4 =	sld [smem:$0x3FA6]  }
0x2a: {  	p0 =	seq.s32 s5, $0x0;
	s5 =	sld [smem:$0x3FA7]  }
0x2b: {  	s6 =	sld [smem:$0x3FA8]  }
0x2c: {  	s7 =	sld [smem:$0x3FA9]  }
0x2d: {  	s3 =	simm.s32 $0x108;
	s8 =	sld [smem:$0x3FAA]  }
0x2e: {  	s3 =	simm.s32 @!p0 $0x1082;
	s9 =	sld [smem:$0x3FAB]  }
0x2f: {  	lr =	sadd.s32 s0, s3;
	s0 =	sld [smem:$0x3FA2]  }
0x30: {  	s3 =	sld [smem:$0x3FA5]  }
0x31: {  	[smem:$0x3FAE] =	sst s10  }
0x32: {  	s10 =	sld [smem:$0x3FAC];
	_ =	sdelay $0x3  }
0x33: {  	p0 =	seq.s32 s10, $0x1;
	s10 =	sld [smem:$0x3FAE];
	_ =	sdelay $0x3  }
0x34: {  	[smem:$0x3FAE] =	sst s10  }
0x35: {  	s10 =	sld [smem:$0x3FAD];
	_ =	sdelay $0x3  }
0x36: {  	p1 =	seq.s32 s10, $0x1;
	s10 =	sld [smem:$0x3FAE];
	_ =	sdelay $0x3  }
0x37: {  	[smem:$0x3FAE] =	sst s10  }
0x38: {  	s10 =	sld [smem:$0x3FAF]  }
0x39: {  	_ = 	snop;
	(pc) =	sbr.ind lr, $3  }
0x3a: {  	_ = 	snop  }
0x3b: {  	_ = 	snop  }
0x3c: {  	p2 =	seq.s32 s10, $0x1;
	s10 =	sld [smem:$0x3FAE]  }
0x3d: {  	_ =	shalt  }
0x3e: {  	_ =	shalt  }
0x3f: {  	_ =	shalt  }
0x40: {  	_ =	shalt  }
0x41: {  	_ =	shalt  }
0x42: {  	_ =	shalt  }
0x43: {  	_ =	shalt  }
0x44: {  	_ =	shalt  }
0x45: {  	_ =	shalt  }
0x46: {  	_ =	shalt  }
0x47: {  	_ =	shalt  }
0x48: {  	_ =	shalt  }
0x49: {  	_ =	shalt  }
0x4a: {  	_ =	shalt  }
0x4b: {  	_ =	shalt  }
0x4c: {  	_ =	shalt  }
0x4d: {  	_ =	shalt  }
0x4e: {  	_ =	shalt  }
0x4f: {  	_ =	shalt  }
0x50: {  	_ =	shalt  }
0x51: {  	_ =	shalt  }
0x52: {  	_ =	shalt  }
0x53: {  	_ =	shalt  }
0x54: {  	_ =	shalt  }
0x55: {  	_ =	shalt  }
0x56: {  	_ =	shalt  }
0x57: {  	_ =	shalt  }
0x58: {  	_ =	shalt  }
0x59: {  	_ =	shalt  }
0x5a: {  	_ =	shalt  }
0x5b: {  	_ =	shalt  }
0x5c: {  	_ =	shalt  }
0x5d: {  	_ =	shalt  }
0x5e: {  	_ =	shalt  }
0x5f: {  	_ =	shalt  }
0x60: {  	_ =	shalt  }
0x61: {  	_ =	shalt  }
0x62: {  	_ =	shalt  }
0x63: {  	_ =	shalt  }
0x64: {  	_ =	shalt  }
0x65: {  	_ =	shalt  }
0x66: {  	_ =	shalt  }
0x67: {  	_ =	shalt  }
0x68: {  	_ =	shalt  }
0x69: {  	_ =	shalt  }
0x6a: {  	_ =	shalt  }
0x6b: {  	_ =	shalt  }
0x6c: {  	_ =	shalt  }
0x6d: {  	_ =	shalt  }
0x6e: {  	_ =	shalt  }
0x6f: {  	_ =	shalt  }
0x70: {  	_ =	shalt  }
0x71: {  	_ =	shalt  }
0x72: {  	_ =	shalt  }
0x73: {  	_ =	shalt  }
0x74: {  	_ =	shalt  }
0x75: {  	_ =	shalt  }
0x76: {  	_ =	shalt  }
0x77: {  	_ =	shalt  }
0x78: {  	_ =	shalt  }
0x79: {  	_ =	shalt  }
0x7a: {  	_ =	shalt  }
0x7b: {  	_ =	shalt  }
0x7c: {  	_ =	shalt  }
0x7d: {  	_ =	shalt  }
0x7e: {  	_ =	shalt  }
0x7f: {  	_ =	shalt  }
0x80: {  	_ =	shalt  }
0x81: {  	_ =	shalt  }
0x82: {  	_ =	shalt  }
0x83: {  	_ =	shalt  }
0x84: {  	_ =	shalt  }
0x85: {  	_ =	shalt  }
0x86: {  	_ =	shalt  }
0x87: {  	_ =	shalt  }
.Lfunc_end0:
.L_simem_size_0:
called_computation.2_lowered:
.L_overlay_start_0:
0x88: {  	s2 =	sld [smem:$0x3FD9]  }
0x89: {  	s3 =	sld [smem:$0x3FFE];
	_ =	sdelay $0x1  }
0x8a: {  	s1 =	srdreg.scid  }
0x8b: {  	s0 =	sand.u32 $0x1, s1  }
0x8c: {  	s16 =	sshll.u32 s0, $0xA;
	s2 =	sadd.s32 s3, s2  }
0x8d: {  	s2 =	sadd.s32 s2, s16  }
0x8e: {  	[smem:$0x3FBA] =	sst s2  }
0x8f: {  	_ = 	snop  }
0x90: {  	(tm) =	ssettm $0x1  }
0x91: {  	s17 =	sld [smem:$0x3FFB];
	_ =	sdelay $0x3  }
0x92: {  	_ =	strace s17  }
0x93: {  	s2 =	sld [smem:$0x3FFC];
	_ =	sdelay $0x3  }
0x94: {  	_ =	strace s2  }
0x95: {  	s2 =	sld [smem:$0x3FFD];
	_ =	sdelay $0x3  }
0x96: {  	_ =	strace s2  }
0x97: {  	_ =	strace $0x8FFFFFFF  }
0x98: {  	s18 =	sld [smem:$0x3FDB];
	_ =	sdelay $0x1  }
0x99: {  	s19 =	simm.s32 $_scs_section_size  }
0x9a: {  	s4 =	simm.s32 $_size__tile_overlayer_lowered;
	s5 =	simm.s32 $_tile_overlayer_lowered  }
0x9b: {  	s22 =	simm.s32 $0x1BFF;
	s21 =	sshll.u32 s5, $0x1;
	s2 =	sadd.s32 s19, s18  }
0x9c: {  	s6 =	simm.s32 $0x0;
	s20 =	sshll.u32 s4, $0x1;
	s4 =	sadd.s32 s21, s2  }
0x9d: {  	[timem:s6], [sflag:s22] =	dma.local [hbm:s4], s20  }
0x9e: {  	_ =	swait.ge [sflag:s22], s20  }
0x9f: {  	s3 =	ssub.s32 $0x0, s20;
	[sflag:s22] =	ssyncset.done $0x0  }
0xa0: {  	[sflag:s22] =	ssyncadd.s32 s3;
	_ =	sdelay $0x1  }
0xa1: {  	s23 =	simm.s32 $0x1B8B  }
0xa2: {  	_ =	swait.ge [sflag:s23], $0x1  }
0xa3: {  	[sflag:s23] =	ssyncset.done $0x0  }
0xa4: {  	s25 =	simm.s32 $0x1B8E;
	s24 =	sld [smem:$0x3FFE];
	[sflag:s23] =	ssyncadd.s32 $0xFFFFFFFF  }
0xa5: {  	s26 =	simm.s32 $execute0_lowered;
	[smem:$0x3FD2] =	sst s25  }
0xa6: {  	s4 =	sshll.u32 s26, $0x1;
	_ =	strace $0x8000004C;
	[dreg:$0x1] =	wrdreg $0xFFFFFFFF  }
0xa7: {  	s28 =	simm.s32 $_size_execute0_lowered;
	s2 =	sadd.s32 s2, s4;
	[dreg:$0x0] =	wrdreg $0x0  }
0xa8: {  	s4 =	sshll.u32 s28, $0x1;
	[dreg:$0x2] =	wrdreg s2  }
0xa9: {  	[dreg:$0x3] =	wrdreg s4  }
0xaa: {  	[dreg:$0x4] =	wrdreg $0xC0  }
0xab: {  	_ =	task [dreg:s6], $0x5FFFF  }
0xac: {  	[dreg:$0x1] =	wrdreg $0xFFFFFFFF  }
0xad: {  	[dreg:$0x0] =	wrdreg $0x60  }
0xae: {  	[dreg:$0x2] =	wrdreg s24  }
0xaf: {  	[dreg:$0x3] =	wrdreg $0x5F800  }
0xb0: {  	[dreg:$0x4] =	wrdreg $0x9  }
0xb1: {  	_ =	task.clear_ibuf [dreg:s6], $0x5FFFF;
	_ =	strace $0x9000004C  }
0xb2: {  	s29 =	simm.s32 $0x9;
	_ =	strace $0x8000004E  }
0xb3: {  	_ =	swait.ge [sflag:s29], $0x1  }
0xb4: {  	[sflag:s29] =	ssyncadd.s32 $0xFFFFFFFF  }
0xb5: {  	_ =	strace $0x9000004E  }
0xb6: {  	_ =	sfence  }
0xb7: {  	s30 =	sld [smem:$0x0];
	_ =	sdelay $0x2  }
0xb8: {  	s31 =	sshll.u32 s1, $0xD;
	s1 =	sshrl.u32 s1, $0x2  }
0xb9: {  	s3 =	sand.u32 $0x4000, s31;
	s1 =	sadd.s32 s1, s30  }
0xba: {  	s0 =	sor.u32 s3, s0;
	s1 =	sshll.u32 s1, $0x11  }
0xbb: {  	s0 =	sor.u32 s1, s0  }
0xbc: {  	s0 =	sadd.s32 $0x8F2B, s0  }
0xbd: {  	[sflag:s0] =	ssyncadd.remote.s32 $0x1  }
0xbe: {  	_ =	sfence.sel $0xFFFF  }
0xbf: {  	[dreg:$0x0] =	wrdreg $0xFFFFFFFF;
	(pc) =	sbr.abs _section_cstart, $3  }
0xc0: {  	[dreg:$0x1] =	wrdreg $0xFFFFFFFF  }
0xc1: {  	_ =	task.clear_ibuf [dreg:s6], $0x2FFFF;
	_ =	strace $0x9FFFFFFF  }
0xc2: {  	(tm) =	ssettm $0x7FFFFFFF  }
0xc3: {  	_ =	shalt  }
tec
execute0_lowered:
.L_overlay_start_1:
0x0: {  	(tag) =	ssettag $0x1  }
0x1: {  	s7 =	rddreg [dreg:$0x0];
	s1 =	srdreg.scid  }
0x2: {  	s0 =	stileid.u32;
	s2 =	rddreg [dreg:$0x1]  }
0x3: {  	s3 =	simm.s32 $0x0;
	s13 =	simm.s32 $0x4;
	s14 =	simm.s32 $0x640  }
0x4: {  	s15 =	simm.s32 $0x1;
	s16 =	simm.s32 $0x3;
	s17 =	simm.s32 $0x190  }
0x5: {  	s18 =	simm.s32 $0x2;
	s19 =	simm.s32 $0xAF0;
	s20 =	simm.s32 $0x2580  }
0x6: {  	s21 =	simm.s32 $0x8;
	s22 =	simm.s32 $0x0;
	s8 =	smul.u32 $0x62000, s0  }
0x7: {  	s6 =	sand.u32 $0x1, s1;
	s1 =	rddreg [dreg:$0x2];
	s11 =	smul.u32 $0x30D40, s0  }
0x8: {  	[smem:$0x7FF] =	sst s3;
	s4 =	sadd.s32 $0x310E00, s7;
	s9 =	smul.u32 $0x620000, s6  }
0x9: {  	s5 =	sadd.s32 $0x2400, s7;
	s10 =	smul.u32 $0x30D400, s6;
	s12 =	ssub.s32 $0x2, s6  }
0xa: {  	_ =	strace $0x8000004D;
	s29 =	sshrl.u32 s12, $0x1;
	s9 =	sadd.s32 s8, s9  }
0xb: {  	s6 =	sadd.s32 s11, s10;
	s31 =	ssub.s32 s12, s29;
	s8 =	sshrl.u32 s8, $0x2  }
0xc: {  	s12 =	simm.s32 $0x5780;
	s9 =	sshrl.u32 s9, $0x3;
	s30 =	sshrl.u32 s6, $0x3  }
0xd: {  	s8 =	sadd.s32 s8, s2;
	s28 =	sadd.s32 s9, s7;
	s7 =	sadd.s32 s5, s30  }
0xe: {  	v0 =	vimm.f32 $0.0e+00;
	s10 =	smax.u32 s31, $0x1;
	s9 =	sadd.s32 $0xC3500, s7;
	s11 =	sadd.s32 $0x7F1000, s28  }
.LBB2_1:
0xf: {  	s23 =	simm.s32 $0x40;
	s24 =	simm.s32 $0x0  }
.LBB2_2:
0x10: {  	p0 =	sne.s32 s23, $0x1FC0;
	[tilespmem:s24+$0x5780] =	vst v0;
	s24 =	smov.u32 s23;
	s23 =	sadd.s32 $0x40, s23  }
.Ltmp0:
0x11: {  	(pc) =	sbr.rel @p0 .LBB2_2-.Ltmp0, $2  }
0x12: {  	_ =	sdelay $0x2  }
0x13: {  	s24 =	sshra.s32 s24, $0x2  }
0x14: {  	[tilespmem:s24+$0x5780] =	vst v0;
	s23 =	simm.s32 $0x0;
	s24 =	smov.u32 s11  }
.LBB2_4:
0x15: {  	s25 =	sadd.s32 $0x0, s8  }
0x16: {  	[spmem:s25] =	stream.linear.scatter [tilespmem:s12], [sflag:$0x4], $0x800, $0x38;
	[tilespmem:$0x1E780] =	vst v63  }
0x17: {  	s25 =	simm.s32 $0x2000;
	_ =	swait.ge [sflag:s13], $0x800  }
.LBB2_5:
0x18: {  	s26 =	sshra.s32 s25, $0x2;
	[sflag:s13] =	ssyncset.done $0x0;
	p0 =	sne.s32 s25, $0x60000  }
.Ltmp1:
0x19: {  	s26 =	sadd.s32 s26, s8;
	[sflag:s13] =	ssyncadd.s32 $0xFFFFF800;
	(pc) =	sbr.rel @p0 .LBB2_5-.Ltmp1, $3  }
0x1a: {  	[spmem:s26] =	stream.linear.scatter [tilespmem:s12], [sflag:$0x4], $0x800, $0x38;
	[tilespmem:$0x1E780] =	vst v63  }
0x1b: {  	s25 =	sadd.s32 $0x2000, s25;
	_ =	sdelay $0x1  }
0x1c: {  	_ =	swait.ge [sflag:s13], $0x800  }
0x1d: {  	[sflag:s13] =	ssyncset.done $0x0  }
.Ltmp2:
0x1e: {  	[sflag:s13] =	ssyncadd.s32 $0xFFFFF800;
	(pc) =	sbr.rel .LBB2_7-.Ltmp2, $4  }
0x1f: {  	s25 =	simm.s32 $0x0;
	[bflag:$0x0] =	sbarrier.arrive $0xFFFF  }
0x20: {  	[tilespmem:s25], [sflag:$0x1] =	stream.linear.gather [hbm4b:s7+s25], $0x190, $0x38;
	[tilespmem:$0x1E780] =	vst v63  }
0x21: {  	_ = 	snop  }
0x22: {  	v1 =	vmov s23;
	[tilespmem:s14], [sflag:$0x1] =	stream.linear.gather [hbm4b:s9+s25], $0x190, $0x38;
	[tilespmem:$0x1E780] =	vst v63  }
.LBB2_12:
0x23: {  	s28 =	sadd.s32 $0x2, s25  }
0x24: {  	s29 =	sand.u32 $0xFFFF, s28  }
0x25: {  	s29 =	smul.u32 $0xAAAB, s29;
	_ =	sdelay $0x1  }
0x26: {  	s29 =	sshrl.u32 s29, $0x11  }
0x27: {  	s29 =	smul.u32 $0x3, s29;
	_ =	sdelay $0x1  }
0x28: {  	s31 =	sadd.s32 $0xFFFFFFFF, s25;
	s28 =	ssub.s32 s28, s29  }
0x29: {  	s25 =	sand.u32 $0x3, s31;
	s28 =	smul.u32 $0x6400, s28  }
0x2a: {  	s25 =	smul.u32 $0x640, s25  }
0x2b: {  	_ =	swait.ge [sflag:s18], $0x1900;
	s28 =	sand.u32 $0xFC00, s28  }
0x2c: {  	[sflag:s18] =	ssyncset.done $0x0;
	s25 =	sshrl.u32 s25, $0x2;
	s28 =	sshrl.u32 s28, $0x2  }
0x2d: {  	[sflag:s18] =	ssyncadd.s32 $0xFFFFE700;
	s25 =	sadd.s32 $0x640, s25;
	s28 =	sadd.s32 $0xC80, s28  }
0x2e: {  	[spmem:s2] =	stream.indirect.scatter.add.f32 [tilespmem:s28], [sflag:$0x3], $0x10, s25, s17, $0xb8;
	[tilespmem:$0x1E780] =	vst v63  }
0x2f: {  	s25 =	smov.u32 s26  }
.LBB2_13:
0x30: {  	p0 =	slt.u32 s25, $0x1F4  }
.Ltmp3:
0x31: {  	_ = 	snop;
	(pc) =	sbr.rel @!p0 .LBB2_14-.Ltmp3, $1  }
0x32: {  	_ =	sdelay $0x3  }
.LBB2_7:
0x33: {  	_ =	swait.ge [sflag:s15], $0x190  }
0x34: {  	[sflag:s15] =	ssyncset.done $0x0  }
0x35: {  	s26 =	sand.u32 $0x3, s25;
	[sflag:s15] =	ssyncadd.s32 $0xFFFFFE70  }
0x36: {  	s26 =	smul.u32 $0x640, s26;
	_ =	swait.ge [sflag:s15], $0x190  }
0x37: {  	[sflag:s15] =	ssyncset.done $0x0  }
0x38: {  	s26 =	sshrl.u32 s26, $0x2;
	[sflag:s15] =	ssyncadd.s32 $0xFFFFFE70  }
0x39: {  	v2 =	vld [tilespmem:s26+$0x0]  }
0x3a: {  	v3 =	vld [tilespmem:s26+$0x10]  }
0x3b: {  	v4 =	vld [tilespmem:s26+$0x20]  }
0x3c: {  	v5 =	vld [tilespmem:s26+$0x30]  }
0x3d: {  	v6 =	vld [tilespmem:s26+$0x40]  }
0x3e: {  	v7 =	vld [tilespmem:s26+$0x50];
	v2 =	vshll.u32 v2, $0x2  }
0x3f: {  	v8 =	vld [tilespmem:s26+$0x60];
	v3 =	vshll.u32 v3, $0x2;
	v2 =	vadd.s32 v1, v2  }
0x40: {  	v46 =	vld [tilespmem:s26+$0x70];
	[tilespmem:s26+$0x0] =	vst v2;
	v2 =	vadd.s32 v1, v3;
	v3 =	vshll.u32 v4, $0x2  }
0x41: {  	v47 =	vld [tilespmem:s26+$0x80];
	[tilespmem:s26+$0x10] =	vst v2;
	v2 =	vadd.s32 v1, v3;
	v3 =	vshll.u32 v5, $0x2  }
0x42: {  	v48 =	vld [tilespmem:s26+$0x90];
	[tilespmem:s26+$0x20] =	vst v2;
	v2 =	vadd.s32 v1, v3;
	v3 =	vshll.u32 v6, $0x2  }
0x43: {  	v49 =	vld [tilespmem:s26+$0xA0];
	[tilespmem:s26+$0x30] =	vst v2;
	v2 =	vadd.s32 v1, v3;
	v3 =	vshll.u32 v7, $0x2  }
0x44: {  	v50 =	vld [tilespmem:s26+$0xB0];
	[tilespmem:s26+$0x40] =	vst v2;
	v2 =	vadd.s32 v1, v3;
	v3 =	vshll.u32 v8, $0x2  }
0x45: {  	v51 =	vld [tilespmem:s26+$0xC0];
	[tilespmem:s26+$0x50] =	vst v2;
	v2 =	vadd.s32 v1, v3;
	v3 =	vshll.u32 v46, $0x2  }
0x46: {  	v52 =	vld [tilespmem:s26+$0xD0];
	[tilespmem:s26+$0x60] =	vst v2;
	v2 =	vadd.s32 v1, v3;
	v3 =	vshll.u32 v47, $0x2  }
0x47: {  	v53 =	vld [tilespmem:s26+$0xE0];
	[tilespmem:s26+$0x70] =	vst v2;
	v2 =	vadd.s32 v1, v3;
	v3 =	vshll.u32 v48, $0x2  }
0x48: {  	v54 =	vld [tilespmem:s26+$0xF0];
	[tilespmem:s26+$0x80] =	vst v2;
	v2 =	vadd.s32 v1, v3;
	v3 =	vshll.u32 v49, $0x2  }
0x49: {  	v55 =	vld [tilespmem:s26+$0x100];
	[tilespmem:s26+$0x90] =	vst v2;
	v2 =	vadd.s32 v1, v3;
	v3 =	vshll.u32 v50, $0x2  }
0x4a: {  	v56 =	vld [tilespmem:s26+$0x110];
	[tilespmem:s26+$0xA0] =	vst v2;
	v2 =	vadd.s32 v1, v3;
	v3 =	vshll.u32 v51, $0x2  }
0x4b: {  	v57 =	vld [tilespmem:s26+$0x120];
	[tilespmem:s26+$0xB0] =	vst v2;
	v2 =	vadd.s32 v1, v3;
	v3 =	vshll.u32 v52, $0x2  }
0x4c: {  	v58 =	vld [tilespmem:s26+$0x130];
	[tilespmem:s26+$0xC0] =	vst v2;
	v2 =	vadd.s32 v1, v3;
	v3 =	vshll.u32 v53, $0x2  }
0x4d: {  	v59 =	vld [tilespmem:s26+$0x140];
	[tilespmem:s26+$0xD0] =	vst v2;
	v2 =	vadd.s32 v1, v3;
	v3 =	vshll.u32 v54, $0x2  }
0x4e: {  	v60 =	vld [tilespmem:s26+$0x150];
	[tilespmem:s26+$0xE0] =	vst v2;
	v2 =	vadd.s32 v1, v3;
	v3 =	vshll.u32 v55, $0x2  }
0x4f: {  	s28 =	smul.u32 $0xAAAB, s25;
	v61 =	vld [tilespmem:s26+$0x160];
	[tilespmem:s26+$0xF0] =	vst v2;
	v2 =	vadd.s32 v1, v3;
	v3 =	vshll.u32 v56, $0x2  }
0x50: {  	v62 =	vld [tilespmem:s26+$0x170];
	[tilespmem:s26+$0x100] =	vst v2;
	v2 =	vadd.s32 v1, v3;
	v3 =	vshll.u32 v57, $0x2  }
0x51: {  	s28 =	sshrl.u32 s28, $0x11;
	v63 =	vld [tilespmem:s26+$0x180];
	[tilespmem:s26+$0x110] =	vst v2;
	v2 =	vadd.s32 v1, v3;
	v3 =	vshll.u32 v58, $0x2  }
0x52: {  	s28 =	smul.u32 $0x3, s28;
	[tilespmem:s26+$0x120] =	vst v2;
	v2 =	vadd.s32 v1, v3;
	v3 =	vshll.u32 v59, $0x2  }
0x53: {  	p0 =	sgt.u32 s25, $0x2;
	[tilespmem:s26+$0x130] =	vst v2;
	v2 =	vadd.s32 v1, v3;
	v3 =	vshll.u32 v60, $0x2  }
.Ltmp4:
0x54: {  	s28 =	ssub.s32 s25, s28;
	[tilespmem:s26+$0x140] =	vst v2;
	v2 =	vadd.s32 v1, v3;
	v3 =	vshll.u32 v61, $0x2;
	(pc) =	sbr.rel @!p0 .LBB2_8-.Ltmp4, $4  }
0x55: {  	s28 =	sand.u32 $0xFFFF, s28;
	[tilespmem:s26+$0x150] =	vst v2;
	v2 =	vadd.s32 v1, v3;
	v3 =	vshll.u32 v62, $0x2  }
0x56: {  	s28 =	smul.u32 $0x6400, s28;
	[tilespmem:s26+$0x160] =	vst v2;
	v2 =	vadd.s32 v1, v3;
	v3 =	vshll.u32 v63, $0x2  }
0x57: {  	[tilespmem:s26+$0x170] =	vst v2;
	v2 =	vadd.s32 v1, v3  }
0x58: {  	s28 =	sshrl.u32 s28, $0x2;
	[tilespmem:s26+$0x180] =	vst v2  }
0x59: {  	p0 =	seq.s32 s25, $0x1F3  }
.Ltmp5:
0x5a: {  	_ =	swait.ge [sflag:s16], $0x1900;
	(pc) =	sbr.rel @p0 .LBB2_12-.Ltmp5, $4  }
.Ltmp6:
0x5b: {  	[sflag:s16] =	ssyncset.done $0x0;
	(pc) =	sbr.rel @!p0 .LBB2_10-.Ltmp6, $4  }
0x5c: {  	s28 =	sadd.s32 $0xC80, s28;
	[sflag:s16] =	ssyncadd.s32 $0xFFFFE700  }
0x5d: {  	[tilespmem:s28], [sflag:$0x2] =	stream.indirect.gather [hbm4b:s4+s17], $0x10, s26, s17, $0xb8;
	[tilespmem:$0x1E780] =	vst v63  }
0x5e: {  	s26 =	simm.s32 $0x1F4  }
0x5f: {  	_ = 	snop  }
.LBB2_8:
0x60: {  	s28 =	sadd.s32 $0xC80, s28  }
0x61: {  	[tilespmem:s28], [sflag:$0x2] =	stream.indirect.gather [hbm4b:s4+s17], $0x10, s26, s17, $0xb8;
	[tilespmem:$0x1E780] =	vst v63  }
.LBB2_10:
0x62: {  	s26 =	sadd.s32 $0x1, s25  }
0x63: {  	s28 =	smul.u32 $0x190, s26  }
0x64: {  	s29 =	sand.u32 $0x3, s26  }
0x65: {  	p0 =	seq.s32 s25, $0x0;
	s29 =	smul.u32 $0x190, s29;
	s28 =	sadd.s32 s6, s28  }
.Ltmp7:
0x66: {  	s28 =	sshrl.u32 s28, $0x3;
	(pc) =	sbr.rel @!p0 .LBB2_12-.Ltmp7, $4  }
0x67: {  	s28 =	sadd.s32 s5, s28  }
0x68: {  	[tilespmem:s29], [sflag:$0x1] =	stream.linear.gather [hbm4b:s28+s3], $0x190, $0x38;
	[tilespmem:$0x1E780] =	vst v63  }
0x69: {  	s29 =	sadd.s32 $0x640, s29;
	s28 =	sadd.s32 $0xC3500, s28  }
0x6a: {  	[tilespmem:s29], [sflag:$0x1] =	stream.linear.gather [hbm4b:s28+s3], $0x190, $0x38;
	[tilespmem:$0x1E780] =	vst v63  }
.Ltmp8:
0x6b: {  	(pc) =	sbr.rel .LBB2_13-.Ltmp8, $2  }
0x6c: {  	_ =	sdelay $0x2  }
0x6d: {  	s25 =	simm.s32 $0x1  }
.LBB2_14:
0x6e: {  	_ =	swait.ge [sflag:s18], $0x1900  }
0x6f: {  	[sflag:s18] =	ssyncset.done $0x0  }
0x70: {  	[sflag:s18] =	ssyncadd.s32 $0xFFFFE700  }
0x71: {  	[spmem:s2] =	stream.indirect.scatter.add.f32 [tilespmem:s20], [sflag:$0x3], $0x10, s19, s17, $0xb8;
	[tilespmem:$0x1E780] =	vst v63  }
0x72: {  	_ =	swait.ge [sflag:s16], $0x1900  }
0x73: {  	[sflag:s16] =	ssyncset.done $0x0  }
0x74: {  	[sflag:s16] =	ssyncadd.s32 $0xFFFFE700  }
0x75: {  	_ =	swait.ge [sflag:s16], $0x1900  }
0x76: {  	[sflag:s16] =	ssyncset.done $0x0  }
0x77: {  	[sflag:s16] =	ssyncadd.s32 $0xFFFFE700  }
0x78: {  	_ =	swait.ge [sflag:s16], $0x1900  }
0x79: {  	[sflag:s16] =	ssyncset.done $0x0  }
0x7a: {  	s25 =	sshll.u32 s0, $0x6;
	s26 =	sadd.s32 $0x0, s24;
	[sflag:s16] =	ssyncadd.s32 $0xFFFFE700  }
0x7b: {  	s28 =	sshrl.u32 s8, $0x3;
	s25 =	sor.u32 $0x1C04, s25;
	[bflag:$0x0] =	sbarrier.arrive $0xFFFF  }
0x7c: {  	[hbm:s26@s21], [sflag:s25] =	dma.strided [spmem:s28@s18], $0x100, s15, $0x2   }
0x7d: {  	s26 =	simm.s32 $0x400;
	s28 =	sadd.s32 $0x800, s8;
	_ =	swait.ge [sflag:s13], $0x100  }
.LBB2_15:
0x7e: {  	s29 =	sadd.s32 s26, s24;
	[sflag:s13] =	ssyncset.done $0x0;
	p0 =	sne.s32 s26, $0xC000  }
.Ltmp9:
0x7f: {  	s30 =	sshrl.u32 s28, $0x3;
	[sflag:s13] =	ssyncadd.s32 $0xFFFFFF00;
	(pc) =	sbr.rel @p0 .LBB2_15-.Ltmp9, $3  }
0x80: {  	[hbm:s29@s21], [sflag:s25] =	dma.strided [spmem:s30@s18], $0x100, s15, $0x2   }
0x81: {  	s26 =	sadd.s32 $0x400, s26;
	_ =	sdelay $0x1  }
0x82: {  	s28 =	sadd.s32 $0x800, s28;
	_ =	swait.ge [sflag:s13], $0x100  }
0x83: {  	s23 =	sadd.s32 $0x1, s23  }
0x84: {  	p0 =	sne.s32 s23, $0x4  }
.Ltmp10:
0x85: {  	_ = 	snop;
	(pc) =	sbr.rel @p0 .LBB2_4-.Ltmp10, $4  }
0x86: {  	[sflag:s13] =	ssyncset.done $0x0  }
0x87: {  	[sflag:s13] =	ssyncadd.s32 $0xFFFFFF00  }
0x88: {  	[bflag:$0x0] =	sbarrier.arrive $0xFFFF  }
0x89: {  	s24 =	sadd.s32 $0x2, s24  }
0x8a: {  	s22 =	sadd.s32 $0x1, s22  }
0x8b: {  	p0 =	sne.s32 s22, s10  }
.Ltmp11:
0x8c: {  	_ = 	snop;
	(pc) =	sbr.rel @p0 .LBB2_1-.Ltmp11, $1  }
0x8d: {  	_ =	sdelay $0x3  }
0x8e: {  	_ =	sfence.sel $0x180000  }
0x8f: {  	[bflag:$0x0] =	sbarrier.arrive $0xFFFF  }
0x90: {  	p0 =	sne.s32 s0, $0x0;
	_ =	strace $0x9000004D  }
0x91: {  	s0 =	sadd.s32 @!p0 $0x100000, s1;
	[bflag:$0x2] =	sbarrier.arrive $0xFFFF  }
0x92: {  	[sflag:s0] =	ssyncadd.tile.s32 @!p0 $0x1;
	_ =	shalt  }
.Lfunc_end2:
_tile_overlayer_lowered:
.L_overlay_start_2:
0x93: {  	(tag) =	ssettag $0x2  }
0x94: {  	s0 =	rddreg [dreg:$0x0];
	s2 =	stileid.u32  }
0x95: {  	s1 =	rddreg [dreg:$0x1];
	p0 =	sne.s32 s2, $0x0  }
0x96: {  	s3 =	rddreg [dreg:$0x2];
	[bflag:$0x3] =	sbarrier.arrive $0xFFFF;
	s2 =	simm.s32 @!p0 $0x1C04  }
0x97: {  	[timem:s3], [sflag:s2] =	dma.local @!p0 [hbm:s0], s1  }
0x98: {  	s0 =	simm.s32 @!p0 $0x4  }
0x99: {  	_ =	swait.ge @!p0 [sflag:s0], s1  }
0x9a: {  	s1 =	ssub.s32 @!p0 $0x0, s1;
	[sflag:s0] =	ssyncset.done @!p0 $0x0  }
0x9b: {  	[sflag:s0] =	ssyncadd.s32 @!p0 s1  }
0x9c: {  	[bflag:$0x3] =	sbarrier.arrive $0xFFFF  }
0x9d: {  	_ =	shalt  }

// kernel: sparse-core-data-format-call.cloned.1.call-start
scs
called_computation_lowered:
.L_overlay_start_0:
0x0: {  	s2 =	sld [smem:$0x3FD9]  }
0x1: {  	s3 =	sld [smem:$0x3FFE];
	_ =	sdelay $0x1  }
0x2: {  	s1 =	srdreg.scid  }
0x3: {  	s0 =	sand.u32 $0x1, s1  }
0x4: {  	s18 =	sshll.u32 s0, $0xA;
	s2 =	sadd.s32 s3, s2  }
0x5: {  	s2 =	sadd.s32 s2, s18  }
0x6: {  	[smem:$0x3FBA] =	sst s2  }
0x7: {  	_ = 	snop  }
0x8: {  	s2 =	sld [smem:$0x3FC8];
	(tm) =	ssettm $0x1  }
0x9: {  	s19 =	sld [smem:$0x3FFB];
	_ =	sdelay $0x3  }
0xa: {  	_ =	strace s19  }
0xb: {  	s3 =	sld [smem:$0x3FFC];
	_ =	sdelay $0x3  }
0xc: {  	_ =	strace s3  }
0xd: {  	s3 =	sld [smem:$0x3FFD];
	_ =	sdelay $0x3  }
0xe: {  	_ =	strace s3  }
0xf: {  	_ =	strace $0x8FFFFFFF  }
0x10: {  	s20 =	sld [smem:$0x3FDB];
	_ =	sdelay $0x1  }
0x11: {  	s4 =	simm.s32 $_scs_section_size  }
0x12: {  	s5 =	simm.s32 $_size__tile_overlayer_lowered;
	s6 =	simm.s32 $_tile_overlayer_lowered  }
0x13: {  	s23 =	simm.s32 $0x1BFF;
	s22 =	sshll.u32 s6, $0x1;
	s3 =	sadd.s32 s4, s20  }
0x14: {  	s7 =	simm.s32 $0x0;
	s21 =	sshll.u32 s5, $0x1;
	s5 =	sadd.s32 s22, s3  }
0x15: {  	[timem:s7], [sflag:s23] =	dma.local [hbm:s5], s21  }
0x16: {  	_ =	swait.ge [sflag:s23], s21  }
0x17: {  	s4 =	ssub.s32 $0x0, s21;
	[sflag:s23] =	ssyncset.done $0x0  }
0x18: {  	[sflag:s23] =	ssyncadd.s32 s4;
	_ =	sdelay $0x1  }
0x19: {  	s24 =	simm.s32 $0x1B8B  }
0x1a: {  	_ =	swait.ge [sflag:s24], $0x1  }
0x1b: {  	[sflag:s24] =	ssyncset.done $0x0  }
0x1c: {  	s26 =	simm.s32 $0x1B8E;
	s25 =	sld [smem:$0x3FFE];
	[sflag:s24] =	ssyncadd.s32 $0xFFFFFFFF  }
0x1d: {  	s27 =	simm.s32 $execute0_lowered;
	[smem:$0x3FD2] =	sst s26  }
0x1e: {  	s5 =	sshll.u32 s27, $0x1;
	_ =	strace $0x80000046;
	[dreg:$0x1] =	wrdreg $0xFFFFFFFF  }
0x1f: {  	s28 =	simm.s32 $_size_execute0_lowered;
	s3 =	sadd.s32 s3, s5;
	[dreg:$0x0] =	wrdreg $0x0  }
0x20: {  	s5 =	sshll.u32 s28, $0x1;
	[dreg:$0x2] =	wrdreg s3  }
0x21: {  	[dreg:$0x3] =	wrdreg s5  }
0x22: {  	[dreg:$0x4] =	wrdreg $0xC0  }
0x23: {  	_ =	task [dreg:s7], $0x5FFFF  }
0x24: {  	[dreg:$0x1] =	wrdreg $0xFFFFFFFF  }
0x25: {  	[dreg:$0x0] =	wrdreg $0x60  }
0x26: {  	[dreg:$0x2] =	wrdreg s2  }
0x27: {  	[dreg:$0x3] =	wrdreg s25  }
0x28: {  	[dreg:$0x4] =	wrdreg $0x9  }
0x29: {  	_ =	task.clear_ibuf [dreg:s7], $0x5FFFF;
	_ =	strace $0x90000046  }
0x2a: {  	s29 =	simm.s32 $0x9;
	_ =	strace $0x80000048  }
0x2b: {  	_ =	swait.ge [sflag:s29], $0x1  }
0x2c: {  	[sflag:s29] =	ssyncadd.s32 $0xFFFFFFFF  }
0x2d: {  	_ =	strace $0x90000048  }
0x2e: {  	_ =	sfence  }
0x2f: {  	s30 =	sld [smem:$0x0];
	_ =	sdelay $0x2  }
0x30: {  	s31 =	sshll.u32 s1, $0xD;
	s1 =	sshrl.u32 s1, $0x2  }
0x31: {  	s3 =	sand.u32 $0x4000, s31;
	s1 =	sadd.s32 s1, s30  }
0x32: {  	s0 =	sor.u32 s3, s0;
	s1 =	sshll.u32 s1, $0x11  }
0x33: {  	s0 =	sor.u32 s1, s0  }
0x34: {  	s0 =	sadd.s32 $0x8F2B, s0  }
0x35: {  	[sflag:s0] =	ssyncadd.remote.s32 $0x1  }
0x36: {  	_ =	sfence.sel $0xFFFF  }
0x37: {  	[dreg:$0x0] =	wrdreg $0xFFFFFFFF;
	(pc) =	sbr.abs _section_cstart, $3  }
0x38: {  	[dreg:$0x1] =	wrdreg $0xFFFFFFFF  }
0x39: {  	_ =	task.clear_ibuf [dreg:s7], $0x2FFFF;
	_ =	strace $0x9FFFFFFF  }
0x3a: {  	(tm) =	ssettm $0x7FFFFFFF  }
0x3b: {  	_ =	shalt  }
tec
execute0_lowered:
.L_overlay_start_1:
0x0: {  	(tag) =	ssettag $0x1  }
0x1: {  	s0 =	stileid.u32;
	s7 =	rddreg [dreg:$0x0]  }
0x2: {  	s1 =	srdreg.scid;
	s4 =	rddreg [dreg:$0x1]  }
0x3: {  	s30 =	simm.s32 $0x2;
	s10 =	simm.s32 $0x0;
	s14 =	simm.s32 $0x0  }
0x4: {  	s15 =	simm.s32 $0x0;
	s11 =	simm.s32 $0x0;
	s13 =	simm.s32 $0x0  }
0x5: {  	s2 =	sand.u32 $0x1, s1;
	s3 =	sshll.u32 s0, $0x7;
	s1 =	rddreg [dreg:$0x2]  }
0x6: {  	_ =	strace $0x80000047;
	s5 =	ssub.s32 $0xC300, s3;
	s6 =	ssub.s32 $0x2, s2  }
.Ltmp0:
0x7: {  	s5 =	sshrl.u32 s5, $0xB;
	s8 =	sshrl.u32 s6, $0x1;
	(pc) =	sbr.rel .LBB1_1-.Ltmp0, $4  }
0x8: {  	s4 =	sadd.s32 $0x2400, s4;
	s9 =	sadd.s32 $0x1, s5;
	s6 =	ssub.s32 s6, s8  }
0x9: {  	s31 =	sshll.u32 s2, $0x4;
	s5 =	simm.s32 $0x1;
	s6 =	smul.u32 s9, s6  }
0xa: {  	s12 =	smov.u32 s3;
	s7 =	sadd.s32 s7, s31;
	[sflag:s5] =	ssyncpa.u1 $0x0  }
0xb: {  	s9 =	simm.s32 $0x0;
	[sflag:s30] =	ssyncpa.u1 $0x0;
	s8 =	sadd.s32 $0x1, s6  }
.LBB1_4:
0xc: {  	s21 =	simm.s32 $0x0  }
.LBB1_8:
0xd: {  	_ =	sdelay $0x3  }
0xe: {  	v6 =	vld [tilespmem:s18+$0xFFFFFFC0];
	[tilespmem:v0+s20+$0x30 ss:$0x1] =	vst.idx.msk @p0 $0xffff, v2  }
0xf: {  	v58 =	vld [tilespmem:s18+$0xFFFFFFD0];
	[tilespmem:v0+s20+$0x40 ss:$0x1] =	vst.idx.msk @p0 $0xffff, v3;
	s21 =	sadd.s32 @p0 $0x80, s21  }
0x10: {  	v59 =	vld [tilespmem:s18+$0xFFFFFFE0];
	[tilespmem:v0+s20+$0x50 ss:$0x1] =	vst.idx.msk @p0 $0xffff, v5;
	s19 =	smov.u32 @p0 s21  }
0x11: {  	v60 =	vld [tilespmem:s18+$0xFFFFFFF0];
	[tilespmem:v0+s20+$0x60 ss:$0x1] =	vst.idx.msk @p0 $0xffff, v4;
	s19 =	sand.u32 $0x3F80, s19  }
0x12: {  	v61 =	vld [tilespmem:s18+$0x0];
	[tilespmem:v0+s19+$0x70 ss:$0x1] =	vst.idx.msk $0xffff, v1  }
0x13: {  	v62 =	vld [tilespmem:s18+$0x10];
	[tilespmem:v0+s19+$0x0 ss:$0x1] =	vst.idx.msk $0xffff, v6  }
0x14: {  	v63 =	vld [tilespmem:s18+$0x20];
	[tilespmem:v0+s19+$0x10 ss:$0x1] =	vst.idx.msk $0xffff, v58  }
0x15: {  	[tilespmem:v0+s19+$0x20 ss:$0x1] =	vst.idx.msk $0xffff, v59  }
0x16: {  	[tilespmem:v0+s19+$0x30 ss:$0x1] =	vst.idx.msk $0xffff, v60  }
0x17: {  	[tilespmem:v0+s19+$0x40 ss:$0x1] =	vst.idx.msk $0xffff, v61  }
0x18: {  	[tilespmem:v0+s19+$0x50 ss:$0x1] =	vst.idx.msk $0xffff, v62  }
0x19: {  	[tilespmem:v0+s19+$0x60 ss:$0x1] =	vst.idx.msk $0xffff, v63  }
.LBB1_9:
0x1a: {  	s18 =	sand.u32 $0x1FFFFFF, s11  }
0x1b: {  	s19 =	smulhi.u32 $0x14F8B59, s18;
	_ =	sdelay $0x1  }
0x1c: {  	s19 =	sshrl.u32 s19, $0x8  }
0x1d: {  	s19 =	smul.u32 $0xC350, s19  }
0x1e: {  	s15 =	smul.u32 $0xC3500, s15  }
0x1f: {  	s18 =	ssub.s32 s18, s19  }
0x20: {  	s15 =	sadd.s32 s4, s15;
	s18 =	sshll.u32 s18, $0x4  }
0x21: {  	s15 =	sadd.s32 s18, s15  }
0x22: {  	[hbm4b:s15+s9] =	stream.linear.scatter [tilespmem:s17], [sflag:$0x2], s16, $0x38;
	[tilespmem:$0x10000] =	vst v63  }
.LBB1_10:
0x23: {  	p0 =	slt.u32 s13, $0x2  }
0x24: {  	p1 =	sgt.s32 @!p0 s14, $0xC2D0  }
0x25: {  	s15 =	smov.u32 s14;
	s16 =	sshra.s32 @!p0 s14, $0x1F;
	p1 =	por !p1, p0  }
0x26: {  	s14 =	sand.u32 @!p0 s16, s14;
	s15 =	simm.s32 @p1 $0xC2D0  }
0x27: {  	s14 =	ssub.s32 @!p0 s15, s14  }
0x28: {  	s14 =	sadd.s32 @!p0 $0xFFFF3D30, s14  }
0x29: {  	s15 =	sshll.u32 @!p0 s14, $0x7  }
0x2a: {  	p1 =	sgt.s32 @!p0 s14, $0x7F;
	s14 =	ssub.s32 @!p0 $0x4000, s15  }
0x2b: {  	s16 =	sadd.s32 $0x800, s12;
	p1 =	por !p1, p0;
	s14 =	sand.u32 @!p0 $0x3FFFFF80, s14  }
0x2c: {  	s14 =	simm.s32 @!p1 $0x0;
	p1 =	sgt.s32 s16, $0xC34F  }
0x2d: {  	s16 =	smov.u32 @p1 s3;
	p1 =	sne.s32 s13, s8  }
.Ltmp1:
0x2e: {  	_ = 	snop;
	(pc) =	sbr.rel @!p1 .LBB1_11-.Ltmp1, $4  }
0x2f: {  	s10 =	sadd.s32 $0x4000, s10;
	s15 =	simm.s32 @!p0 $0x2  }
0x30: {  	_ =	swait.ge @!p0 [sflag:s15], s14;
	s17 =	ssub.s32 @!p0 $0x0, s14;
	s14 =	smov.u32 s11  }
0x31: {  	s13 =	sadd.s32 $0x1, s13;
	s11 =	smov.u32 s12;
	[sflag:s15] =	ssyncset.done @!p0 $0x0  }
0x32: {  	s12 =	smov.u32 s16;
	[sflag:s15] =	ssyncadd.s32 @!p0 s17;
	s15 =	smov.u32 s2  }
.LBB1_1:
0x33: {  	p0 =	sge.u32 s13, s6  }
0x34: {  	p1 =	sgt.s32 @!p0 s12, $0xC2D0  }
0x35: {  	s16 =	smov.u32 s12;
	s17 =	sshra.s32 @!p0 s12, $0x1F;
	p1 =	por !p1, p0  }
0x36: {  	s17 =	sand.u32 @!p0 s17, s12;
	s16 =	simm.s32 @p1 $0xC2D0  }
0x37: {  	s16 =	ssub.s32 @!p0 s16, s17  }
0x38: {  	s31 =	sadd.s32 $0xFFFFFFFF, s13;
	s18 =	sxor.u32 @!p0 $0xFFFFFFFF, s13;
	s16 =	sadd.s32 @!p0 $0xFFFF3D30, s16  }
0x39: {  	s19 =	simm.s32 @!p0 $0x80;
	s20 =	simm.s32 @!p0 $0x100;
	s17 =	sshll.u32 @!p0 s16, $0x7  }
0x3a: {  	p1 =	sgt.s32 @!p0 s16, $0x7F;
	s16 =	ssub.s32 @!p0 $0x4000, s17;
	s17 =	sshll.u32 @!p0 s18, $0xE  }
0x3b: {  	p1 =	por !p1, p0;
	s18 =	sshll.u32 @!p0 s12, $0x5;
	s16 =	sand.u32 @!p0 $0x3FFFFF80, s16  }
0x3c: {  	s17 =	sand.u32 @!p0 $0x4000, s17;
	s18 =	sadd.s32 @!p0 s18, s7;
	s16 =	simm.s32 @!p1 $0x0  }
0x3d: {  	[tilespmem:s17], [sflag:$0x1] =	stream.strided.gather @!p0 [hbm4b:s18+s19], s16, s20, s19, $0x38;
	[tilespmem:$0x10000] =	vst v63  }
0x3e: {  	p0 =	sge.u32 s31, s6  }
.Ltmp2:
0x3f: {  	_ = 	snop;
	(pc) =	sbr.rel @p0 .LBB1_10-.Ltmp2, $1  }
0x40: {  	_ =	sdelay $0x3  }
0x41: {  	p0 =	sgt.s32 s11, $0xC2D0;
	s16 =	smov.u32 s11;
	s17 =	sshra.s32 s11, $0x1F  }
0x42: {  	s16 =	simm.s32 @!p0 $0xC2D0;
	s17 =	sand.u32 s17, s11  }
0x43: {  	s16 =	ssub.s32 s16, s17  }
0x44: {  	s16 =	sadd.s32 $0xFFFF3D30, s16  }
0x45: {  	s30 =	sshll.u32 s16, $0x7  }
0x46: {  	s17 =	ssub.s32 $0x4000, s30  }
0x47: {  	p0 =	sgt.s32 s16, $0x7F;
	s16 =	sand.u32 $0x3FFFFF80, s17;
	s17 =	sadd.s32 $0x80, s11  }
0x48: {  	s16 =	simm.s32 @p0 $0x0;
	p0 =	slt.s32 s17, $0xC350  }
0x49: {  	s17 =	simm.s32 @!p0 $0xC350  }
0x4a: {  	s20 =	ssub.s32 s17, s11  }
0x4b: {  	p0 =	slt.s32 s20, $0x1  }
.Ltmp3:
0x4c: {  	_ = 	snop;
	(pc) =	sbr.rel @p0 .LBB1_9-.Ltmp3, $4  }
0x4d: {  	_ = 	snop  }
0x4e: {  	s19 =	sshll.u32 s13, $0xE;
	_ =	swait.ge [sflag:s5], s16  }
0x4f: {  	s31 =	sand.u32 $0x4000, s19;
	s18 =	ssub.s32 $0x0, s16;
	[sflag:s5] =	ssyncset.done $0x0  }
0x50: {  	s17 =	sor.u32 $0x8000, s31;
	[sflag:s5] =	ssyncadd.s32 s18  }
0x51: {  	p1 =	sne.s32 s20, $0x1  }
.Ltmp4:
0x52: {  	v0 =	vmov s17;
	(pc) =	sbr.rel @!p1 .LBB1_4-.Ltmp4, $4  }
0x53: {  	_ = 	snop  }
0x54: {  	s18 =	sand.u32 $0x4000, s10  }
0x55: {  	s18 =	sor.u32 $0x40, s18  }
0x56: {  	s19 =	simm.s32 $0x0;
	s21 =	sadd.s32 $0xFFFFFFFF, s20;
	p0 =	por $0x0, $0x0;
	v1 =	vld [tilespmem:s18+$0x30]  }
0x57: {  	v4 =	vld [tilespmem:s18+$0xFFFFFFC0]  }
0x58: {  	v6 =	vld [tilespmem:s18+$0xFFFFFFD0]  }
0x59: {  	v7 =	vld [tilespmem:s18+$0xFFFFFFE0];
	p1 =	sne.s32 s21, $0x1  }
.Ltmp5:
0x5a: {  	v2 =	vld [tilespmem:s18+$0xFFFFFFF0];
	s20 =	sand.u32 $0x3F80, s19;
	(pc) =	sbr.rel @!p1 .LBB1_6-.Ltmp5, $4  }
0x5b: {  	v3 =	vld [tilespmem:s18+$0x0];
	[tilespmem:v0+s20+$0x70 ss:$0x1] =	vst.idx.msk $0xffff, v1  }
0x5c: {  	v5 =	vld [tilespmem:s18+$0x10];
	[tilespmem:v0+s20+$0x0 ss:$0x1] =	vst.idx.msk $0xffff, v4  }
0x5d: {  	v4 =	vld [tilespmem:s18+$0x20];
	[tilespmem:v0+s20+$0x10 ss:$0x1] =	vst.idx.msk $0xffff, v6;
	s18 =	sadd.s32 $0x80, s18  }
0x5e: {  	s22 =	sadd.s32 $0xFFFFFFFF, s21;
	p0 =	por $0x1, $0x1;
	s21 =	simm.s32 $0x0;
	[tilespmem:v0+s20+$0x20 ss:$0x1] =	vst.idx.msk $0xffff, v7;
	v1 =	vld [tilespmem:s18+$0x30]  }
.LBB1_7:
0x5f: {  	p1 =	sne.s32 s22, $0x1;
	v6 =	vld [tilespmem:s18+$0xFFFFFFC0];
	[tilespmem:v0+s20+$0x30 ss:$0x1] =	vst.idx.msk $0xffff, v2  }
0x60: {  	v7 =	vld [tilespmem:s18+$0xFFFFFFD0];
	[tilespmem:v0+s20+$0x40 ss:$0x1] =	vst.idx.msk $0xffff, v3  }
0x61: {  	s21 =	sadd.s32 $0x80, s21;
	v8 =	vld [tilespmem:s18+$0xFFFFFFE0];
	[tilespmem:v0+s20+$0x50 ss:$0x1] =	vst.idx.msk $0xffff, v5  }
.Ltmp6:
0x62: {  	v2 =	vld [tilespmem:s18+$0xFFFFFFF0];
	[tilespmem:v0+s20+$0x60 ss:$0x1] =	vst.idx.msk $0xffff, v4;
	s20 =	sand.u32 $0x3F80, s21;
	(pc) =	sbr.rel @p1 .LBB1_7-.Ltmp6, $4  }
0x63: {  	v3 =	vld [tilespmem:s18+$0x0];
	[tilespmem:v0+s20+$0x70 ss:$0x1] =	vst.idx.msk $0xffff, v1  }
0x64: {  	[tilespmem:v0+s20+$0x0 ss:$0x1] =	vst.idx.msk $0xffff, v6;
	v5 =	vld [tilespmem:s18+$0x10]  }
0x65: {  	[tilespmem:v0+s20+$0x10 ss:$0x1] =	vst.idx.msk $0xffff, v7;
	v4 =	vld [tilespmem:s18+$0x20];
	s18 =	sadd.s32 $0x80, s18  }
0x66: {  	s22 =	sadd.s32 $0xFFFFFFFF, s22;
	v1 =	vld [tilespmem:s18+$0x30];
	[tilespmem:v0+s20+$0x20 ss:$0x1] =	vst.idx.msk $0xffff, v8  }
.Ltmp7:
0x67: {  	_ = 	snop;
	(pc) =	sbr.rel .LBB1_8-.Ltmp7, $1  }
0x68: {  	_ =	sdelay $0x3  }
.LBB1_6:
.Ltmp8:
0x69: {  	(pc) =	sbr.rel .LBB1_8-.Ltmp8, $2  }
0x6a: {  	_ =	sdelay $0x2  }
0x6b: {  	s21 =	simm.s32 $0x0  }
.LBB1_11:
0x6c: {  	_ =	sfence.sel $0x180000  }
0x6d: {  	s2 =	simm.s32 $0x1;
	[bflag:$0x0] =	sbarrier.arrive $0xFFFF  }
0x6e: {  	s31 =	simm.s32 $0x2;
	[sflag:s2] =	ssyncpa.u1 $0x1  }
0x6f: {  	[sflag:s31] =	ssyncpa.u1 $0x1  }
0x70: {  	p0 =	sne.s32 s0, $0x0;
	_ =	strace $0x90000047  }
0x71: {  	s0 =	sadd.s32 @!p0 $0x100000, s1;
	[bflag:$0x2] =	sbarrier.arrive $0xFFFF  }
0x72: {  	[sflag:s0] =	ssyncadd.tile.s32 @!p0 $0x1;
	_ =	shalt  }
.Lfunc_end1:
_tile_overlayer_lowered:
.L_overlay_start_2:
0x73: {  	(tag) =	ssettag $0x2  }
0x74: {  	s0 =	rddreg [dreg:$0x0];
	s2 =	stileid.u32  }
0x75: {  	s1 =	rddreg [dreg:$0x1];
	p0 =	sne.s32 s2, $0x0  }
0x76: {  	s3 =	rddreg [dreg:$0x2];
	[bflag:$0x3] =	sbarrier.arrive $0xFFFF;
	s2 =	simm.s32 @!p0 $0x1C01  }
0x77: {  	[timem:s3], [sflag:s2] =	dma.local @!p0 [hbm:s0], s1  }
0x78: {  	s0 =	simm.s32 @!p0 $0x1  }
0x79: {  	_ =	swait.ge @!p0 [sflag:s0], s1  }
0x7a: {  	s1 =	ssub.s32 @!p0 $0x0, s1;
	[sflag:s0] =	ssyncset.done @!p0 $0x0  }
0x7b: {  	[sflag:s0] =	ssyncadd.s32 @!p0 s1  }
0x7c: {  	[bflag:$0x3] =	sbarrier.arrive $0xFFFF  }
0x7d: {  	_ =	shalt  }

</sc_bundles>
